<compile_context>
chip_gen: v7x
topology: tpu7x:2x2x1
jax: 0.10.2.dev20260603
libtpu: 0.0.44.dev20260713+nightly
codegen_flags: <defaults>
</compile_context>

<pallas_src>
import functools

import jax
import jax.numpy as jnp
from jax import lax
from jax.experimental import pallas as pl
from jax.experimental.pallas import tpu as pltpu
from jax.experimental.pallas import tpu_sc as plsc

N = 10000
E = 160000
D = 256
NB = 4
SI = 64
SO = 64
R = 200

B = 256
NBLK = 832
EP = NBLK * B
NC = 2
NS = 16
NW = NC * NS
CH = 128
NROWS = 10240
HALF = D // 2


def _sc_mesh():
    return plsc.VectorSubcoreMesh(core_axis_name="c", subcore_axis_name="s",
                                  num_cores=NC, num_subcores=NS)


def _gather_rows(pad_src, x):
    slots_t = EP // NS
    chunks_t = slots_t // CH
    xrows_t = 624

    @functools.partial(
        pl.kernel,
        out_type=jax.ShapeDtypeStruct((EP, D), jnp.float32),
        mesh=_sc_mesh(),
        scratch_types=[
            pltpu.VMEM((slots_t,), jnp.int32),
            pltpu.VMEM((2, CH, HALF), jnp.float32),
            pltpu.VMEM_SHARED((N, HALF), jnp.float32),
            pltpu.SemaphoreType.DMA((2,)),
        ],
    )
    def body(src_hbm, x_hbm, out_hbm, idx_v, rows_v, xsp, osems):
        c = lax.axis_index("c")
        s = lax.axis_index("s")
        col0 = c * HALF
        pltpu.sync_copy(x_hbm.at[pl.ds(s * xrows_t, xrows_t), pl.ds(col0, HALF)],
                        xsp.at[pl.ds(s * xrows_t, xrows_t)])

        @pl.when(s == 0)
        def _():
            pltpu.sync_copy(x_hbm.at[pl.ds(NS * xrows_t, N - NS * xrows_t),
                                     pl.ds(col0, HALF)],
                            xsp.at[pl.ds(NS * xrows_t, N - NS * xrows_t)])
        base0 = s * slots_t
        pltpu.sync_copy(src_hbm.at[pl.ds(base0, slots_t)], idx_v)
        plsc.subcore_barrier()

        def step(g, carry):
            slot = lax.rem(g, 2)
            @pl.when(g >= 2)
            def _():
                pltpu.make_async_copy(
                    rows_v.at[slot],
                    out_hbm.at[pl.ds(0, CH), pl.ds(col0, HALF)],
                    osems.at[slot]).wait()

            pltpu.sync_copy(xsp.at[idx_v.at[pl.ds(g * CH, CH)]], rows_v.at[slot])
            pltpu.async_copy(
                rows_v.at[slot],
                out_hbm.at[pl.ds(base0 + g * CH, CH), pl.ds(col0, HALF)],
                osems.at[slot])
            return carry

        lax.fori_loop(0, chunks_t, step, 0)
        for tail in (chunks_t - 2, chunks_t - 1):
            pltpu.make_async_copy(
                rows_v.at[tail % 2],
                out_hbm.at[pl.ds(0, CH), pl.ds(col0, HALF)],
                osems.at[tail % 2]).wait()

    return body(pad_src, x)


def _block_matmul(block_rel, xg, wbd):

    def body(brel_ref, xg_ref, w_ref, out_ref):
        out_ref[...] = jnp.dot(xg_ref[...].astype(jnp.bfloat16), w_ref[0],
                               preferred_element_type=jnp.float32)

    grid_spec = pltpu.PrefetchScalarGridSpec(
        num_scalar_prefetch=1,
        grid=(NBLK,),
        in_specs=[
            pl.BlockSpec((B, D), lambda i, brel: (i, 0)),
            pl.BlockSpec((1, D, D), lambda i, brel: (brel[i], 0, 0)),
        ],
        out_specs=pl.BlockSpec((B, D), lambda i, brel: (i, 0)),
    )
    return pl.pallas_call(
        body, grid_spec=grid_spec,
        out_shape=jax.ShapeDtypeStruct((EP, D), jnp.float32),
    )(block_rel, xg, wbd)


def _scatter_add(pad_dst2, msg, zrows):
    edges_t = EP // NS
    chunks_t = edges_t // CH
    rows_t = NROWS // NS

    @functools.partial(
        pl.kernel,
        out_type=jax.ShapeDtypeStruct((NROWS, D), jnp.float32),
        mesh=_sc_mesh(),
        scratch_types=[
            pltpu.VMEM((chunks_t, CH), jnp.int32),
            pltpu.VMEM((2, CH, HALF), jnp.float32),
            pltpu.VMEM_SHARED((NROWS, HALF), jnp.float32),
            pltpu.SemaphoreType.DMA((2,)),
            pltpu.SemaphoreType.DMA((2,)),
        ],
    )
    def body(dst_hbm, msg_hbm, z_hbm, out_hbm, idx_v, buf_v, acc_sh, msems,
             ssems):
        c = lax.axis_index("c")
        s = lax.axis_index("s")
        col0 = c * HALF
        r0 = s * rows_t
        e0 = s * edges_t
        pltpu.sync_copy(dst_hbm.at[pl.ds(s * chunks_t, chunks_t)], idx_v)
        pltpu.sync_copy(z_hbm.at[pl.ds(r0, rows_t)], acc_sh.at[pl.ds(r0, rows_t)])
        plsc.subcore_barrier()

        def start_load(g, slot):
            pltpu.async_copy(
                msg_hbm.at[pl.ds(e0 + g * CH, CH), pl.ds(col0, HALF)],
                buf_v.at[slot], msems.at[slot])

        start_load(0, 0)

        def step(g, carry):
            slot = lax.rem(g, 2)
            nslot = lax.rem(g + 1, 2)
            pltpu.make_async_copy(
                msg_hbm.at[pl.ds(0, CH), pl.ds(col0, HALF)],
                buf_v.at[slot], msems.at[slot]).wait()

            @pl.when(g + 1 < chunks_t)
            def _():
                @pl.when(g >= 1)
                def _():
                    pltpu.make_async_copy(buf_v.at[nslot],
                                          acc_sh.at[pl.ds(0, CH)],
                                          ssems.at[nslot]).wait()
                start_load(g + 1, nslot)

            pltpu.async_copy(buf_v.at[slot], acc_sh.at[idx_v.at[g]],
                             ssems.at[slot], add=True)
            return carry

        lax.fori_loop(0, chunks_t, step, 0)
        for tail in (chunks_t - 2, chunks_t - 1):
            pltpu.make_async_copy(buf_v.at[0], acc_sh.at[pl.ds(0, CH)],
                                  ssems.at[tail % 2]).wait()
        plsc.subcore_barrier()
        pltpu.sync_copy(acc_sh.at[pl.ds(r0, rows_t)],
                        out_hbm.at[pl.ds(r0, rows_t), pl.ds(col0, HALF)])

    return body(pad_dst2, msg, zrows)


def _loop_matmul(x, loop_weight):
    BR = 2000

    def body(x_ref, lw_ref, out_ref):
        out_ref[...] = jnp.dot(x_ref[...].astype(jnp.bfloat16), lw_ref[...],
                               preferred_element_type=jnp.float32)

    return pl.pallas_call(
        body,
        grid=(N // BR,),
        in_specs=[
            pl.BlockSpec((BR, D), lambda i: (i, 0)),
            pl.BlockSpec((D, D), lambda i: (0, 0)),
        ],
        out_specs=pl.BlockSpec((BR, D), lambda i: (i, 0)),
        out_shape=jax.ShapeDtypeStruct((N, D), jnp.float32),
    )(x, loop_weight.astype(jnp.bfloat16))


def _finalize(acc, norm, lm):
    BR = 2000

    def body(acc_ref, norm_ref, lm_ref, out_ref):
        out_ref[...] = acc_ref[...] * norm_ref[...] + lm_ref[...]

    return pl.pallas_call(
        body,
        grid=(N // BR,),
        in_specs=[
            pl.BlockSpec((BR, D), lambda i: (i, 0)),
            pl.BlockSpec((BR, 1), lambda i: (i, 0)),
            pl.BlockSpec((BR, D), lambda i: (i, 0)),
        ],
        out_specs=pl.BlockSpec((BR, D), lambda i: (i, 0)),
        out_shape=jax.ShapeDtypeStruct((N, D), jnp.float32),
    )(acc, norm, lm)


def kernel(x, edge_index, rel, norm, weight, loop_weight):
    src = edge_index[0]
    dst = edge_index[1]

    order = jnp.argsort(rel)
    rel_s = rel[order]
    src_s = src[order]
    dst_s = dst[order]
    ar = jnp.arange(R, dtype=jnp.int32)
    starts = jnp.searchsorted(rel_s, ar, side="left").astype(jnp.int32)
    ends = jnp.searchsorted(rel_s, ar, side="right").astype(jnp.int32)
    counts = ends - starts
    nblk_r = (counts + (B - 1)) // B
    blk_start = jnp.cumsum(nblk_r) - nblk_r
    blk_ids = jnp.arange(NBLK, dtype=jnp.int32)
    block_rel = (jnp.searchsorted(blk_start, blk_ids, side="right") - 1
                 ).astype(jnp.int32)
    off_in_rel = ((blk_ids - blk_start[block_rel]) * B)[:, None] + jnp.arange(
        B, dtype=jnp.int32)[None, :]
    edge_id = (starts[block_rel][:, None] + off_in_rel).reshape(EP)
    valid = (off_in_rel < counts[block_rel][:, None]).reshape(EP)
    edge_id = jnp.clip(edge_id, 0, E - 1)
    pad_src = jnp.where(valid, src_s[edge_id], 0)
    pad_dst = jnp.where(valid, dst_s[edge_id], N)

    w4 = weight.reshape(R, NB, SI, SO).astype(jnp.bfloat16)
    eye4 = jnp.eye(NB, dtype=jnp.bfloat16)
    wbd = jnp.einsum("rkio,kl->rkilo", w4, eye4).reshape(R, D, D)
    zrows = jnp.zeros((NROWS, HALF), jnp.float32)

    lm = _loop_matmul(x, loop_weight)
    xg = _gather_rows(pad_src, x)
    msg = _block_matmul(block_rel, xg, wbd)
    acc = _scatter_add(pad_dst.reshape(EP // CH, CH), msg, zrows)
    return _finalize(acc, norm, lm)

# --- scband reference (transcript-rebuilt; emitter-appended) ---
"""Pipeline reference for scband-rgcnblock-layer-33526514713104 (READ-ONLY COPY).

The authoritative reference and input builder live on the scoring server;
editing this copy changes nothing except your own understanding.
"""

import jax, jax.numpy as jnp
import numpy as np

N = 10000
E = 160000
D = 256
NB = 4
SI = 64
SO = 64
R = 200


def setup_inputs(seed: int = 0) -> dict:
    key = jax.random.key(seed)
    k1, k2, k3, k4, k5, k6 = jax.random.split(key, 6)
    x = jax.random.normal(k1, (N, D), dtype=jnp.float32)
    edge_index = jax.random.randint(k2, (2, E), 0, N, dtype=jnp.int32)
    rel = jax.random.randint(k3, (E,), 0, R, dtype=jnp.int32)
    norm = jax.random.uniform(k4, (N, 1), dtype=jnp.float32)
    # block-diagonal relation weights: [num_rels, num_bases*submat_in*submat_out]
    weight = jax.random.normal(k5, (R, NB * SI * SO), dtype=jnp.float32) * 0.03
    loop_weight = jax.random.normal(k6, (D, D), dtype=jnp.float32) * 0.06
    return {"x": x, "edge_index": edge_index, "rel": rel, "norm": norm,
            "weight": weight, "loop_weight": loop_weight}


def reference(x, edge_index, rel, norm, weight, loop_weight):
    src = edge_index[0]
    dst = edge_index[1]
    # msg_func: per-edge block-diagonal bmm
    w = jnp.take(weight, rel, axis=0).reshape(-1, SI, SO)          # [E*NB, SI, SO]
    node = jnp.take(x, src, axis=0).reshape(-1, 1, SI)             # [E*NB, 1, SI]
    msg = jnp.matmul(node, w).reshape(-1, NB * SO)                 # [E, out_feat]
    # fn.sum(msg, out='h'): scatter-add into destination nodes
    h = jax.ops.segment_sum(msg, dst, num_segments=N)
    # apply_func: h = h * norm
    h = h * norm
    # self-loop message (no dropout, p=0.0)
    loop_message = x @ loop_weight
    h = h + loop_message
    # bias=None, activation=None
    return h

if __name__ == "__main__":
    import jax
    _d = setup_inputs()
    print(jax.jit(kernel)(*tuple(_d.values())))

</pallas_src>

<mosaic_0001>
#map = affine_map<(d0, d1) -> (0)>
#map1 = affine_map<(d0, d1) -> (0, 0)>
module attributes {stable_mosaic.version = 14 : i64} {
  func.func @body(%arg0: i32, %arg1: i32, %arg2: memref<212992xi32, #tpu.memory_space<hbm>>, %arg3: memref<10000x256xf32, #tpu.memory_space<hbm>>, %arg4: memref<212992x256xf32, #tpu.memory_space<hbm>>, %arg5: memref<13312xi32, #tpu.memory_space<vmem>>, %arg6: memref<2x128x128xf32, #tpu.memory_space<vmem>>, %arg7: memref<10000x128xf32, #tpu.memory_space<vmem_shared>>, %arg8: memref<2x!tpu.dma_semaphore, #tpu.memory_space<semaphore_mem>>) attributes {dimension_semantics = [#tpu.dimension_semantics<core_parallel>, #tpu.dimension_semantics<subcore_parallel>], iteration_bounds = array<i64: 2, 16>, scalar_prefetch = 0 : i64, scratch_operands = 4 : i64, tpu.core_type = #tpu.core_type<sc_vector_subcore>, window_params = [{transform_indices = #map}, {transform_indices = #map1}, {transform_indices = #map1}]} {
    %mul3A = arith.constant 128 : i32
    %mul3A_0 = arith.muli %arg0, %mul3A : i32
    %mul3A_1 = arith.constant 624 : i32
    %mul3A_2 = arith.muli %arg1, %mul3A_1 : i32
    %mul3A_3 = arith.constant 624 : i32
    %mul3A_4 = arith.muli %arg1, %mul3A_3 : i32
    "tpu.region"() ({
      %run_scoped3A = tpu.sem_alloc : memref<!tpu.dma_semaphore, #tpu.memory_space<semaphore_mem>>
      %dma_start3A = arith.constant 0 : i32
      %dma_start3A_45 = tpu.memref_slice %arg7[%mul3A_4, %dma_start3A] : memref<10000x128xf32, #tpu.memory_space<vmem_shared>> -> memref<624x128xf32, #tpu.memory_space<vmem_shared>>
      %dma_start3A_46 = tpu.memref_slice %arg3[%mul3A_2, %mul3A_0] : memref<10000x256xf32, #tpu.memory_space<hbm>> -> memref<624x128xf32, #tpu.memory_space<hbm>>
      tpu.enqueue_dma source(%dma_start3A_46 : memref<624x128xf32, #tpu.memory_space<hbm>>) target(%dma_start3A_45 : memref<624x128xf32, #tpu.memory_space<vmem_shared>>) target_semaphore(%run_scoped3A : memref<!tpu.dma_semaphore, #tpu.memory_space<semaphore_mem>>)
      %dma_wait3A_47 = arith.constant 0 : i32
      %dma_wait3A_48 = tpu.memref_slice %arg7[%mul3A_4, %dma_wait3A_47] : memref<10000x128xf32, #tpu.memory_space<vmem_shared>> -> memref<624x128xf32, #tpu.memory_space<vmem_shared>>
      %dma_wait3A_49 = tpu.memref_slice %arg3[%mul3A_2, %mul3A_0] : memref<10000x256xf32, #tpu.memory_space<hbm>> -> memref<624x128xf32, #tpu.memory_space<hbm>>
      tpu.wait_dma2 semaphore(%run_scoped3A : memref<!tpu.dma_semaphore, #tpu.memory_space<semaphore_mem>>) src(%dma_wait3A_49 : memref<624x128xf32, #tpu.memory_space<hbm>>) dst(%dma_wait3A_48 : memref<624x128xf32, #tpu.memory_space<vmem_shared>>)
      tpu.yield
    }) : () -> ()
    %eq3A = arith.constant 0 : i32
    %eq3A_5 = arith.cmpi eq, %arg1, %eq3A : i32
    %convert_element_type3A = arith.extui %eq3A_5 : i1 to i32
    %cond3A = arith.constant 0 : i32
    %cond3A_6 = arith.cmpi ne, %convert_element_type3A, %cond3A : i32
    scf.if %cond3A_6 {
      "tpu.region"() ({
        %run_scoped3A = tpu.sem_alloc : memref<!tpu.dma_semaphore, #tpu.memory_space<semaphore_mem>>
        %dma_start3A = arith.constant 9984 : i32
        %dma_start3A_45 = arith.constant 0 : i32
        %dma_start3A_46 = tpu.memref_slice %arg7[%dma_start3A, %dma_start3A_45] : memref<10000x128xf32, #tpu.memory_space<vmem_shared>> -> memref<16x128xf32, #tpu.memory_space<vmem_shared>>
        %dma_start3A_47 = arith.constant 9984 : i32
        %dma_start3A_48 = tpu.memref_slice %arg3[%dma_start3A_47, %mul3A_0] : memref<10000x256xf32, #tpu.memory_space<hbm>> -> memref<16x128xf32, #tpu.memory_space<hbm>>
        tpu.enqueue_dma source(%dma_start3A_48 : memref<16x128xf32, #tpu.memory_space<hbm>>) target(%dma_start3A_46 : memref<16x128xf32, #tpu.memory_space<vmem_shared>>) target_semaphore(%run_scoped3A : memref<!tpu.dma_semaphore, #tpu.memory_space<semaphore_mem>>)
        %dma_wait3A_49 = arith.constant 9984 : i32
        %dma_wait3A_50 = arith.constant 0 : i32
        %dma_wait3A_51 = tpu.memref_slice %arg7[%dma_wait3A_49, %dma_wait3A_50] : memref<10000x128xf32, #tpu.memory_space<vmem_shared>> -> memref<16x128xf32, #tpu.memory_space<vmem_shared>>
        %dma_wait3A_52 = arith.constant 9984 : i32
        %dma_wait3A_53 = tpu.memref_slice %arg3[%dma_wait3A_52, %mul3A_0] : memref<10000x256xf32, #tpu.memory_space<hbm>> -> memref<16x128xf32, #tpu.memory_space<hbm>>
        tpu.wait_dma2 semaphore(%run_scoped3A : memref<!tpu.dma_semaphore, #tpu.memory_space<semaphore_mem>>) src(%dma_wait3A_53 : memref<16x128xf32, #tpu.memory_space<hbm>>) dst(%dma_wait3A_51 : memref<16x128xf32, #tpu.memory_space<vmem_shared>>)
        tpu.yield
      }) : () -> ()
    } else {
    }
    %mul3A_7 = arith.constant 13312 : i32
    %mul3A_8 = arith.muli %arg1, %mul3A_7 : i32
    "tpu.region"() ({
      %run_scoped3A = tpu.sem_alloc : memref<!tpu.dma_semaphore, #tpu.memory_space<semaphore_mem>>
      %dma_start3A = tpu.memref_slice %arg2[%mul3A_8] : memref<212992xi32, #tpu.memory_space<hbm>> -> memref<13312xi32, #tpu.memory_space<hbm>>
      %dma_start3A_45 = tpu.memref_slice %arg2[%mul3A_8] : memref<212992xi32, #tpu.memory_space<hbm>> -> memref<13312xi32, #tpu.memory_space<hbm>>
      tpu.enqueue_dma source(%dma_start3A_45 : memref<13312xi32, #tpu.memory_space<hbm>>) target(%arg5 : memref<13312xi32, #tpu.memory_space<vmem>>) target_semaphore(%run_scoped3A : memref<!tpu.dma_semaphore, #tpu.memory_space<semaphore_mem>>)
      %dma_wait3A_46 = tpu.memref_slice %arg2[%mul3A_8] : memref<212992xi32, #tpu.memory_space<hbm>> -> memref<13312xi32, #tpu.memory_space<hbm>>
      %dma_wait3A_47 = tpu.memref_slice %arg2[%mul3A_8] : memref<212992xi32, #tpu.memory_space<hbm>> -> memref<13312xi32, #tpu.memory_space<hbm>>
      tpu.wait_dma2 semaphore(%run_scoped3A : memref<!tpu.dma_semaphore, #tpu.memory_space<semaphore_mem>>) src(%dma_wait3A_47 : memref<13312xi32, #tpu.memory_space<hbm>>) dst(%arg5 : memref<13312xi32, #tpu.memory_space<vmem>>)
      tpu.yield
    }) : () -> ()
    %barrier3A = arith.constant 0 : index
    tpu.barrier barrier_id(%barrier3A)
    %scan3A = arith.constant 0 : i32
    %scan3A_9 = arith.constant 0 : i32
    %scan3A_10 = arith.constant 104 : i32
    %scan3A_11 = arith.addi %scan3A_9, %scan3A_10 : i32
    %scan3A_12 = arith.constant 1 : i32
    scf.for %scan3A_45 = %scan3A_9 to %scan3A_11 step %scan3A_12  : i32 {
      %rem3A = arith.constant 2 : i32
      %rem3A_46 = arith.remsi %scan3A_45, %rem3A : i32
      %ge3A = arith.constant 2 : i32
      %ge3A_47 = arith.cmpi sge, %scan3A_45, %ge3A : i32
      %convert_element_type3A_48 = arith.extui %ge3A_47 : i1 to i32
      %cond3A_49 = arith.constant 0 : i32
      %cond3A_50 = arith.cmpi ne, %convert_element_type3A_48, %cond3A_49 : i32
      scf.if %cond3A_50 {
        %dma_wait3A_66 = arith.constant 0 : i32
        %dma_wait3A_67 = arith.constant 0 : i32
        %dma_wait3A_68 = tpu.memref_slice %arg6[%rem3A_46, %dma_wait3A_66, %dma_wait3A_67] : memref<2x128x128xf32, #tpu.memory_space<vmem>> -> memref<1x128x128xf32, #tpu.memory_space<vmem>>
        %dma_wait3A_69 = tpu.memref_squeeze %dma_wait3A_68 : memref<1x128x128xf32, #tpu.memory_space<vmem>> -> memref<128x128xf32, #tpu.memory_space<vmem>>
        %dma_wait3A_70 = arith.constant 0 : i32
        %dma_wait3A_71 = tpu.memref_slice %arg4[%dma_wait3A_70, %mul3A_0] : memref<212992x256xf32, #tpu.memory_space<hbm>> -> memref<128x128xf32, #tpu.memory_space<hbm>>
        %dma_wait3A_72 = tpu.memref_slice %arg8[%rem3A_46] : memref<2x!tpu.dma_semaphore, #tpu.memory_space<semaphore_mem>> -> memref<1x!tpu.dma_semaphore, #tpu.memory_space<semaphore_mem>>
        %dma_wait3A_73 = tpu.memref_squeeze %dma_wait3A_72 : memref<1x!tpu.dma_semaphore, #tpu.memory_space<semaphore_mem>> -> memref<!tpu.dma_semaphore, #tpu.memory_space<semaphore_mem>>
        %dma_wait3A_74 = arith.constant 0 : i32
        %dma_wait3A_75 = tpu.memref_slice %arg4[%dma_wait3A_74, %mul3A_0] : memref<212992x256xf32, #tpu.memory_space<hbm>> -> memref<128x128xf32, #tpu.memory_space<hbm>>
        %dma_wait3A_76 = arith.constant 0 : i32
        %dma_wait3A_77 = arith.constant 0 : i32
        %dma_wait3A_78 = tpu.memref_slice %arg6[%rem3A_46, %dma_wait3A_76, %dma_wait3A_77] : memref<2x128x128xf32, #tpu.memory_space<vmem>> -> memref<1x128x128xf32, #tpu.memory_space<vmem>>
        %dma_wait3A_79 = tpu.memref_squeeze %dma_wait3A_78 : memref<1x128x128xf32, #tpu.memory_space<vmem>> -> memref<128x128xf32, #tpu.memory_space<vmem>>
        tpu.wait_dma2 semaphore(%dma_wait3A_73 : memref<!tpu.dma_semaphore, #tpu.memory_space<semaphore_mem>>) src(%dma_wait3A_79 : memref<128x128xf32, #tpu.memory_space<vmem>>) dst(%dma_wait3A_75 : memref<128x128xf32, #tpu.memory_space<hbm>>)
      } else {
      }
      %mul3A_51 = arith.constant 128 : i32
      %mul3A_52 = arith.muli %scan3A_45, %mul3A_51 : i32
      "tpu.region"() ({
        %run_scoped3A = tpu.sem_alloc : memref<!tpu.dma_semaphore, #tpu.memory_space<semaphore_mem>>
        %dma_start3A_66 = arith.constant 0 : i32
        %dma_start3A_67 = arith.constant 0 : i32
        %dma_start3A_68 = tpu.memref_slice %arg6[%rem3A_46, %dma_start3A_66, %dma_start3A_67] : memref<2x128x128xf32, #tpu.memory_space<vmem>> -> memref<1x128x128xf32, #tpu.memory_space<vmem>>
        %dma_start3A_69 = tpu.memref_squeeze %dma_start3A_68 : memref<1x128x128xf32, #tpu.memory_space<vmem>> -> memref<128x128xf32, #tpu.memory_space<vmem>>
        %dma_start3A_70 = tpu.memref_slice %arg5[%mul3A_52] : memref<13312xi32, #tpu.memory_space<vmem>> -> memref<128xi32, #tpu.memory_space<vmem>>
        %dma_start3A_71 = arith.constant 0 : i32
        %dma_start3A_72 = arith.constant 0 : i32
        %dma_start3A_73 = tpu.memref_slice %arg7[%dma_start3A_71, %dma_start3A_72] : memref<10000x128xf32, #tpu.memory_space<vmem_shared>> -> memref<10000x128xf32, #tpu.memory_space<vmem_shared>>
        tpu.enqueue_indirect_dma source(%dma_start3A_73 : memref<10000x128xf32, #tpu.memory_space<vmem_shared>>) target(%dma_start3A_69 : memref<128x128xf32, #tpu.memory_space<vmem>>) offsets(%dma_start3A_70 : memref<128xi32, #tpu.memory_space<vmem>>) semaphore(%run_scoped3A : memref<!tpu.dma_semaphore, #tpu.memory_space<semaphore_mem>>)
        %dma_wait3A_74 = arith.constant 0 : i32
        %dma_wait3A_75 = arith.constant 0 : i32
        %dma_wait3A_76 = tpu.memref_slice %arg6[%rem3A_46, %dma_wait3A_74, %dma_wait3A_75] : memref<2x128x128xf32, #tpu.memory_space<vmem>> -> memref<1x128x128xf32, #tpu.memory_space<vmem>>
        %dma_wait3A_77 = tpu.memref_squeeze %dma_wait3A_76 : memref<1x128x128xf32, #tpu.memory_space<vmem>> -> memref<128x128xf32, #tpu.memory_space<vmem>>
        %dma_wait3A_78 = tpu.memref_slice %arg5[%mul3A_52] : memref<13312xi32, #tpu.memory_space<vmem>> -> memref<128xi32, #tpu.memory_space<vmem>>
        %dma_wait3A_79 = arith.constant 0 : i32
        %dma_wait3A_80 = arith.constant 0 : i32
        %dma_wait3A_81 = tpu.memref_slice %arg7[%dma_wait3A_79, %dma_wait3A_80] : memref<10000x128xf32, #tpu.memory_space<vmem_shared>> -> memref<10000x128xf32, #tpu.memory_space<vmem_shared>>
        tpu.wait_indirect_dma semaphore(%run_scoped3A : memref<!tpu.dma_semaphore, #tpu.memory_space<semaphore_mem>>) src(%dma_wait3A_81 : memref<10000x128xf32, #tpu.memory_space<vmem_shared>>) dst(%dma_wait3A_77 : memref<128x128xf32, #tpu.memory_space<vmem>>)
        tpu.yield
      }) : () -> ()
      %mul3A_53 = arith.constant 128 : i32
      %mul3A_54 = arith.muli %scan3A_45, %mul3A_53 : i32
      %add3A = arith.addi %mul3A_8, %mul3A_54 : i32
      %dma_start3A = arith.constant 0 : i32
      %dma_start3A_55 = arith.constant 0 : i32
      %dma_start3A_56 = tpu.memref_slice %arg6[%rem3A_46, %dma_start3A, %dma_start3A_55] : memref<2x128x128xf32, #tpu.memory_space<vmem>> -> memref<1x128x128xf32, #tpu.memory_space<vmem>>
      %dma_start3A_57 = tpu.memref_squeeze %dma_start3A_56 : memref<1x128x128xf32, #tpu.memory_space<vmem>> -> memref<128x128xf32, #tpu.memory_space<vmem>>
      %dma_start3A_58 = tpu.memref_slice %arg4[%add3A, %mul3A_0] : memref<212992x256xf32, #tpu.memory_space<hbm>> -> memref<128x128xf32, #tpu.memory_space<hbm>>
      %dma_start3A_59 = tpu.memref_slice %arg8[%rem3A_46] : memref<2x!tpu.dma_semaphore, #tpu.memory_space<semaphore_mem>> -> memref<1x!tpu.dma_semaphore, #tpu.memory_space<semaphore_mem>>
      %dma_start3A_60 = tpu.memref_squeeze %dma_start3A_59 : memref<1x!tpu.dma_semaphore, #tpu.memory_space<semaphore_mem>> -> memref<!tpu.dma_semaphore, #tpu.memory_space<semaphore_mem>>
      %dma_start3A_61 = tpu.memref_slice %arg4[%add3A, %mul3A_0] : memref<212992x256xf32, #tpu.memory_space<hbm>> -> memref<128x128xf32, #tpu.memory_space<hbm>>
      %dma_start3A_62 = arith.constant 0 : i32
      %dma_start3A_63 = arith.constant 0 : i32
      %dma_start3A_64 = tpu.memref_slice %arg6[%rem3A_46, %dma_start3A_62, %dma_start3A_63] : memref<2x128x128xf32, #tpu.memory_space<vmem>> -> memref<1x128x128xf32, #tpu.memory_space<vmem>>
      %dma_start3A_65 = tpu.memref_squeeze %dma_start3A_64 : memref<1x128x128xf32, #tpu.memory_space<vmem>> -> memref<128x128xf32, #tpu.memory_space<vmem>>
      tpu.enqueue_dma source(%dma_start3A_65 : memref<128x128xf32, #tpu.memory_space<vmem>>) target(%dma_start3A_61 : memref<128x128xf32, #tpu.memory_space<hbm>>) target_semaphore(%dma_start3A_60 : memref<!tpu.dma_semaphore, #tpu.memory_space<semaphore_mem>>)
    }
    %scan3A_13 = arith.constant 104 : i32
    %dma_wait3A = arith.constant 0 : i32
    %dma_wait3A_14 = arith.constant 0 : i32
    %dma_wait3A_15 = arith.constant 0 : i32
    %dma_wait3A_16 = arith.constant 0 : i32
    %dma_wait3A_17 = tpu.memref_slice %arg6[%dma_wait3A, %dma_wait3A_15, %dma_wait3A_16] : memref<2x128x128xf32, #tpu.memory_space<vmem>> -> memref<1x128x128xf32, #tpu.memory_space<vmem>>
    %dma_wait3A_18 = tpu.memref_squeeze %dma_wait3A_17 : memref<1x128x128xf32, #tpu.memory_space<vmem>> -> memref<128x128xf32, #tpu.memory_space<vmem>>
    %dma_wait3A_19 = arith.constant 0 : i32
    %dma_wait3A_20 = tpu.memref_slice %arg4[%dma_wait3A_19, %mul3A_0] : memref<212992x256xf32, #tpu.memory_space<hbm>> -> memref<128x128xf32, #tpu.memory_space<hbm>>
    %dma_wait3A_21 = tpu.memref_slice %arg8[%dma_wait3A_14] : memref<2x!tpu.dma_semaphore, #tpu.memory_space<semaphore_mem>> -> memref<1x!tpu.dma_semaphore, #tpu.memory_space<semaphore_mem>>
    %dma_wait3A_22 = tpu.memref_squeeze %dma_wait3A_21 : memref<1x!tpu.dma_semaphore, #tpu.memory_space<semaphore_mem>> -> memref<!tpu.dma_semaphore, #tpu.memory_space<semaphore_mem>>
    %dma_wait3A_23 = arith.constant 0 : i32
    %dma_wait3A_24 = tpu.memref_slice %arg4[%dma_wait3A_23, %mul3A_0] : memref<212992x256xf32, #tpu.memory_space<hbm>> -> memref<128x128xf32, #tpu.memory_space<hbm>>
    %dma_wait3A_25 = arith.constant 0 : i32
    %dma_wait3A_26 = arith.constant 0 : i32
    %dma_wait3A_27 = tpu.memref_slice %arg6[%dma_wait3A, %dma_wait3A_25, %dma_wait3A_26] : memref<2x128x128xf32, #tpu.memory_space<vmem>> -> memref<1x128x128xf32, #tpu.memory_space<vmem>>
    %dma_wait3A_28 = tpu.memref_squeeze %dma_wait3A_27 : memref<1x128x128xf32, #tpu.memory_space<vmem>> -> memref<128x128xf32, #tpu.memory_space<vmem>>
    tpu.wait_dma2 semaphore(%dma_wait3A_22 : memref<!tpu.dma_semaphore, #tpu.memory_space<semaphore_mem>>) src(%dma_wait3A_28 : memref<128x128xf32, #tpu.memory_space<vmem>>) dst(%dma_wait3A_24 : memref<128x128xf32, #tpu.memory_space<hbm>>)
    %dma_wait3A_29 = arith.constant 1 : i32
    %dma_wait3A_30 = arith.constant 1 : i32
    %dma_wait3A_31 = arith.constant 0 : i32
    %dma_wait3A_32 = arith.constant 0 : i32
    %dma_wait3A_33 = tpu.memref_slice %arg6[%dma_wait3A_29, %dma_wait3A_31, %dma_wait3A_32] : memref<2x128x128xf32, #tpu.memory_space<vmem>> -> memref<1x128x128xf32, #tpu.memory_space<vmem>>
    %dma_wait3A_34 = tpu.memref_squeeze %dma_wait3A_33 : memref<1x128x128xf32, #tpu.memory_space<vmem>> -> memref<128x128xf32, #tpu.memory_space<vmem>>
    %dma_wait3A_35 = arith.constant 0 : i32
    %dma_wait3A_36 = tpu.memref_slice %arg4[%dma_wait3A_35, %mul3A_0] : memref<212992x256xf32, #tpu.memory_space<hbm>> -> memref<128x128xf32, #tpu.memory_space<hbm>>
    %dma_wait3A_37 = tpu.memref_slice %arg8[%dma_wait3A_30] : memref<2x!tpu.dma_semaphore, #tpu.memory_space<semaphore_mem>> -> memref<1x!tpu.dma_semaphore, #tpu.memory_space<semaphore_mem>>
    %dma_wait3A_38 = tpu.memref_squeeze %dma_wait3A_37 : memref<1x!tpu.dma_semaphore, #tpu.memory_space<semaphore_mem>> -> memref<!tpu.dma_semaphore, #tpu.memory_space<semaphore_mem>>
    %dma_wait3A_39 = arith.constant 0 : i32
    %dma_wait3A_40 = tpu.memref_slice %arg4[%dma_wait3A_39, %mul3A_0] : memref<212992x256xf32, #tpu.memory_space<hbm>> -> memref<128x128xf32, #tpu.memory_space<hbm>>
    %dma_wait3A_41 = arith.constant 0 : i32
    %dma_wait3A_42 = arith.constant 0 : i32
    %dma_wait3A_43 = tpu.memref_slice %arg6[%dma_wait3A_29, %dma_wait3A_41, %dma_wait3A_42] : memref<2x128x128xf32, #tpu.memory_space<vmem>> -> memref<1x128x128xf32, #tpu.memory_space<vmem>>
    %dma_wait3A_44 = tpu.memref_squeeze %dma_wait3A_43 : memref<1x128x128xf32, #tpu.memory_space<vmem>> -> memref<128x128xf32, #tpu.memory_space<vmem>>
    tpu.wait_dma2 semaphore(%dma_wait3A_38 : memref<!tpu.dma_semaphore, #tpu.memory_space<semaphore_mem>>) src(%dma_wait3A_44 : memref<128x128xf32, #tpu.memory_space<vmem>>) dst(%dma_wait3A_40 : memref<128x128xf32, #tpu.memory_space<hbm>>)
    return
  }
}

#map = affine_map<(d0, d1) -> (0, 0)>
module attributes {stable_mosaic.version = 14 : i64} {
  func.func @body(%arg0: i32, %arg1: i32, %arg2: memref<1664x128xi32, #tpu.memory_space<hbm>>, %arg3: memref<212992x256xf32, #tpu.memory_space<hbm>>, %arg4: memref<10240x128xf32, #tpu.memory_space<hbm>>, %arg5: memref<10240x256xf32, #tpu.memory_space<hbm>>, %arg6: memref<104x128xi32, #tpu.memory_space<vmem>>, %arg7: memref<2x128x128xf32, #tpu.memory_space<vmem>>, %arg8: memref<10240x128xf32, #tpu.memory_space<vmem_shared>>, %arg9: memref<2x!tpu.dma_semaphore, #tpu.memory_space<semaphore_mem>>, %arg10: memref<2x!tpu.dma_semaphore, #tpu.memory_space<semaphore_mem>>) attributes {dimension_semantics = [#tpu.dimension_semantics<core_parallel>, #tpu.dimension_semantics<subcore_parallel>], iteration_bounds = array<i64: 2, 16>, scalar_prefetch = 0 : i64, scratch_operands = 5 : i64, tpu.core_type = #tpu.core_type<sc_vector_subcore>, window_params = [{transform_indices = #map}, {transform_indices = #map}, {transform_indices = #map}, {transform_indices = #map}]} {
    %mul3A = arith.constant 128 : i32
    %mul3A_0 = arith.muli %arg0, %mul3A : i32
    %mul3A_1 = arith.constant 640 : i32
    %mul3A_2 = arith.muli %arg1, %mul3A_1 : i32
    %mul3A_3 = arith.constant 13312 : i32
    %mul3A_4 = arith.muli %arg1, %mul3A_3 : i32
    %mul3A_5 = arith.constant 104 : i32
    %mul3A_6 = arith.muli %arg1, %mul3A_5 : i32
    "tpu.region"() ({
      %run_scoped3A = tpu.sem_alloc : memref<!tpu.dma_semaphore, #tpu.memory_space<semaphore_mem>>
      %dma_start3A_62 = arith.constant 0 : i32
      %dma_start3A_63 = tpu.memref_slice %arg2[%mul3A_6, %dma_start3A_62] : memref<1664x128xi32, #tpu.memory_space<hbm>> -> memref<104x128xi32, #tpu.memory_space<hbm>>
      %dma_start3A_64 = arith.constant 0 : i32
      %dma_start3A_65 = tpu.memref_slice %arg2[%mul3A_6, %dma_start3A_64] : memref<1664x128xi32, #tpu.memory_space<hbm>> -> memref<104x128xi32, #tpu.memory_space<hbm>>
      tpu.enqueue_dma source(%dma_start3A_65 : memref<104x128xi32, #tpu.memory_space<hbm>>) target(%arg6 : memref<104x128xi32, #tpu.memory_space<vmem>>) target_semaphore(%run_scoped3A : memref<!tpu.dma_semaphore, #tpu.memory_space<semaphore_mem>>)
      %dma_wait3A_66 = arith.constant 0 : i32
      %dma_wait3A_67 = tpu.memref_slice %arg2[%mul3A_6, %dma_wait3A_66] : memref<1664x128xi32, #tpu.memory_space<hbm>> -> memref<104x128xi32, #tpu.memory_space<hbm>>
      %dma_wait3A_68 = arith.constant 0 : i32
      %dma_wait3A_69 = tpu.memref_slice %arg2[%mul3A_6, %dma_wait3A_68] : memref<1664x128xi32, #tpu.memory_space<hbm>> -> memref<104x128xi32, #tpu.memory_space<hbm>>
      tpu.wait_dma2 semaphore(%run_scoped3A : memref<!tpu.dma_semaphore, #tpu.memory_space<semaphore_mem>>) src(%dma_wait3A_69 : memref<104x128xi32, #tpu.memory_space<hbm>>) dst(%arg6 : memref<104x128xi32, #tpu.memory_space<vmem>>)
      tpu.yield
    }) : () -> ()
    "tpu.region"() ({
      %run_scoped3A = tpu.sem_alloc : memref<!tpu.dma_semaphore, #tpu.memory_space<semaphore_mem>>
      %dma_start3A_62 = arith.constant 0 : i32
      %dma_start3A_63 = tpu.memref_slice %arg8[%mul3A_2, %dma_start3A_62] : memref<10240x128xf32, #tpu.memory_space<vmem_shared>> -> memref<640x128xf32, #tpu.memory_space<vmem_shared>>
      %dma_start3A_64 = arith.constant 0 : i32
      %dma_start3A_65 = tpu.memref_slice %arg4[%mul3A_2, %dma_start3A_64] : memref<10240x128xf32, #tpu.memory_space<hbm>> -> memref<640x128xf32, #tpu.memory_space<hbm>>
      tpu.enqueue_dma source(%dma_start3A_65 : memref<640x128xf32, #tpu.memory_space<hbm>>) target(%dma_start3A_63 : memref<640x128xf32, #tpu.memory_space<vmem_shared>>) target_semaphore(%run_scoped3A : memref<!tpu.dma_semaphore, #tpu.memory_space<semaphore_mem>>)
      %dma_wait3A_66 = arith.constant 0 : i32
      %dma_wait3A_67 = tpu.memref_slice %arg8[%mul3A_2, %dma_wait3A_66] : memref<10240x128xf32, #tpu.memory_space<vmem_shared>> -> memref<640x128xf32, #tpu.memory_space<vmem_shared>>
      %dma_wait3A_68 = arith.constant 0 : i32
      %dma_wait3A_69 = tpu.memref_slice %arg4[%mul3A_2, %dma_wait3A_68] : memref<10240x128xf32, #tpu.memory_space<hbm>> -> memref<640x128xf32, #tpu.memory_space<hbm>>
      tpu.wait_dma2 semaphore(%run_scoped3A : memref<!tpu.dma_semaphore, #tpu.memory_space<semaphore_mem>>) src(%dma_wait3A_69 : memref<640x128xf32, #tpu.memory_space<hbm>>) dst(%dma_wait3A_67 : memref<640x128xf32, #tpu.memory_space<vmem_shared>>)
      tpu.yield
    }) : () -> ()
    %barrier3A = arith.constant 0 : index
    tpu.barrier barrier_id(%barrier3A)
    %add3A = arith.constant 0 : i32
    %add3A_7 = arith.addi %mul3A_4, %add3A : i32
    %dma_start3A = arith.constant 0 : i32
    %dma_start3A_8 = arith.constant 0 : i32
    %dma_start3A_9 = arith.constant 0 : i32
    %dma_start3A_10 = arith.constant 0 : i32
    %dma_start3A_11 = tpu.memref_slice %arg7[%dma_start3A, %dma_start3A_9, %dma_start3A_10] : memref<2x128x128xf32, #tpu.memory_space<vmem>> -> memref<1x128x128xf32, #tpu.memory_space<vmem>>
    %dma_start3A_12 = tpu.memref_squeeze %dma_start3A_11 : memref<1x128x128xf32, #tpu.memory_space<vmem>> -> memref<128x128xf32, #tpu.memory_space<vmem>>
    %dma_start3A_13 = tpu.memref_slice %arg3[%add3A_7, %mul3A_0] : memref<212992x256xf32, #tpu.memory_space<hbm>> -> memref<128x128xf32, #tpu.memory_space<hbm>>
    %dma_start3A_14 = tpu.memref_slice %arg9[%dma_start3A_8] : memref<2x!tpu.dma_semaphore, #tpu.memory_space<semaphore_mem>> -> memref<1x!tpu.dma_semaphore, #tpu.memory_space<semaphore_mem>>
    %dma_start3A_15 = tpu.memref_squeeze %dma_start3A_14 : memref<1x!tpu.dma_semaphore, #tpu.memory_space<semaphore_mem>> -> memref<!tpu.dma_semaphore, #tpu.memory_space<semaphore_mem>>
    %dma_start3A_16 = arith.constant 0 : i32
    %dma_start3A_17 = arith.constant 0 : i32
    %dma_start3A_18 = tpu.memref_slice %arg7[%dma_start3A, %dma_start3A_16, %dma_start3A_17] : memref<2x128x128xf32, #tpu.memory_space<vmem>> -> memref<1x128x128xf32, #tpu.memory_space<vmem>>
    %dma_start3A_19 = tpu.memref_squeeze %dma_start3A_18 : memref<1x128x128xf32, #tpu.memory_space<vmem>> -> memref<128x128xf32, #tpu.memory_space<vmem>>
    %dma_start3A_20 = tpu.memref_slice %arg3[%add3A_7, %mul3A_0] : memref<212992x256xf32, #tpu.memory_space<hbm>> -> memref<128x128xf32, #tpu.memory_space<hbm>>
    tpu.enqueue_dma source(%dma_start3A_20 : memref<128x128xf32, #tpu.memory_space<hbm>>) target(%dma_start3A_19 : memref<128x128xf32, #tpu.memory_space<vmem>>) target_semaphore(%dma_start3A_15 : memref<!tpu.dma_semaphore, #tpu.memory_space<semaphore_mem>>)
    %scan3A = arith.constant 0 : i32
    %scan3A_21 = arith.constant 0 : i32
    %scan3A_22 = arith.constant 104 : i32
    %scan3A_23 = arith.addi %scan3A_21, %scan3A_22 : i32
    %scan3A_24 = arith.constant 1 : i32
    scf.for %scan3A_62 = %scan3A_21 to %scan3A_23 step %scan3A_24  : i32 {
      %rem3A = arith.constant 2 : i32
      %rem3A_63 = arith.remsi %scan3A_62, %rem3A : i32
      %add3A_64 = arith.constant 1 : i32
      %add3A_65 = arith.addi %scan3A_62, %add3A_64 : i32
      %rem3A_66 = arith.constant 2 : i32
      %rem3A_67 = arith.remsi %add3A_65, %rem3A_66 : i32
      %dma_wait3A_68 = arith.constant 0 : i32
      %dma_wait3A_69 = arith.constant 0 : i32
      %dma_wait3A_70 = tpu.memref_slice %arg7[%rem3A_63, %dma_wait3A_68, %dma_wait3A_69] : memref<2x128x128xf32, #tpu.memory_space<vmem>> -> memref<1x128x128xf32, #tpu.memory_space<vmem>>
      %dma_wait3A_71 = tpu.memref_squeeze %dma_wait3A_70 : memref<1x128x128xf32, #tpu.memory_space<vmem>> -> memref<128x128xf32, #tpu.memory_space<vmem>>
      %dma_wait3A_72 = arith.constant 0 : i32
      %dma_wait3A_73 = tpu.memref_slice %arg3[%dma_wait3A_72, %mul3A_0] : memref<212992x256xf32, #tpu.memory_space<hbm>> -> memref<128x128xf32, #tpu.memory_space<hbm>>
      %dma_wait3A_74 = tpu.memref_slice %arg9[%rem3A_63] : memref<2x!tpu.dma_semaphore, #tpu.memory_space<semaphore_mem>> -> memref<1x!tpu.dma_semaphore, #tpu.memory_space<semaphore_mem>>
      %dma_wait3A_75 = tpu.memref_squeeze %dma_wait3A_74 : memref<1x!tpu.dma_semaphore, #tpu.memory_space<semaphore_mem>> -> memref<!tpu.dma_semaphore, #tpu.memory_space<semaphore_mem>>
      %dma_wait3A_76 = arith.constant 0 : i32
      %dma_wait3A_77 = arith.constant 0 : i32
      %dma_wait3A_78 = tpu.memref_slice %arg7[%rem3A_63, %dma_wait3A_76, %dma_wait3A_77] : memref<2x128x128xf32, #tpu.memory_space<vmem>> -> memref<1x128x128xf32, #tpu.memory_space<vmem>>
      %dma_wait3A_79 = tpu.memref_squeeze %dma_wait3A_78 : memref<1x128x128xf32, #tpu.memory_space<vmem>> -> memref<128x128xf32, #tpu.memory_space<vmem>>
      %dma_wait3A_80 = arith.constant 0 : i32
      %dma_wait3A_81 = tpu.memref_slice %arg3[%dma_wait3A_80, %mul3A_0] : memref<212992x256xf32, #tpu.memory_space<hbm>> -> memref<128x128xf32, #tpu.memory_space<hbm>>
      tpu.wait_dma2 semaphore(%dma_wait3A_75 : memref<!tpu.dma_semaphore, #tpu.memory_space<semaphore_mem>>) src(%dma_wait3A_81 : memref<128x128xf32, #tpu.memory_space<hbm>>) dst(%dma_wait3A_79 : memref<128x128xf32, #tpu.memory_space<vmem>>)
      %add3A_82 = arith.constant 1 : i32
      %add3A_83 = arith.addi %scan3A_62, %add3A_82 : i32
      %lt3A = arith.constant 104 : i32
      %lt3A_84 = arith.cmpi slt, %add3A_83, %lt3A : i32
      %convert_element_type3A = arith.extui %lt3A_84 : i1 to i32
      %cond3A = arith.constant 0 : i32
      %cond3A_85 = arith.cmpi ne, %convert_element_type3A, %cond3A : i32
      scf.if %cond3A_85 {
        %ge3A = arith.constant 1 : i32
        %ge3A_98 = arith.cmpi sge, %scan3A_62, %ge3A : i32
        %convert_element_type3A_99 = arith.extui %ge3A_98 : i1 to i32
        %cond3A_100 = arith.constant 0 : i32
        %cond3A_101 = arith.cmpi ne, %convert_element_type3A_99, %cond3A_100 : i32
        scf.if %cond3A_101 {
          %dma_wait3A_119 = arith.constant 0 : i32
          %dma_wait3A_120 = arith.constant 0 : i32
          %dma_wait3A_121 = tpu.memref_slice %arg7[%rem3A_67, %dma_wait3A_119, %dma_wait3A_120] : memref<2x128x128xf32, #tpu.memory_space<vmem>> -> memref<1x128x128xf32, #tpu.memory_space<vmem>>
          %dma_wait3A_122 = tpu.memref_squeeze %dma_wait3A_121 : memref<1x128x128xf32, #tpu.memory_space<vmem>> -> memref<128x128xf32, #tpu.memory_space<vmem>>
          %dma_wait3A_123 = arith.constant 0 : i32
          %dma_wait3A_124 = arith.constant 0 : i32
          %dma_wait3A_125 = tpu.memref_slice %arg8[%dma_wait3A_123, %dma_wait3A_124] : memref<10240x128xf32, #tpu.memory_space<vmem_shared>> -> memref<128x128xf32, #tpu.memory_space<vmem_shared>>
          %dma_wait3A_126 = tpu.memref_slice %arg10[%rem3A_67] : memref<2x!tpu.dma_semaphore, #tpu.memory_space<semaphore_mem>> -> memref<1x!tpu.dma_semaphore, #tpu.memory_space<semaphore_mem>>
          %dma_wait3A_127 = tpu.memref_squeeze %dma_wait3A_126 : memref<1x!tpu.dma_semaphore, #tpu.memory_space<semaphore_mem>> -> memref<!tpu.dma_semaphore, #tpu.memory_space<semaphore_mem>>
          %dma_wait3A_128 = arith.constant 0 : i32
          %dma_wait3A_129 = arith.constant 0 : i32
          %dma_wait3A_130 = tpu.memref_slice %arg8[%dma_wait3A_128, %dma_wait3A_129] : memref<10240x128xf32, #tpu.memory_space<vmem_shared>> -> memref<128x128xf32, #tpu.memory_space<vmem_shared>>
          %dma_wait3A_131 = arith.constant 0 : i32
          %dma_wait3A_132 = arith.constant 0 : i32
          %dma_wait3A_133 = tpu.memref_slice %arg7[%rem3A_67, %dma_wait3A_131, %dma_wait3A_132] : memref<2x128x128xf32, #tpu.memory_space<vmem>> -> memref<1x128x128xf32, #tpu.memory_space<vmem>>
          %dma_wait3A_134 = tpu.memref_squeeze %dma_wait3A_133 : memref<1x128x128xf32, #tpu.memory_space<vmem>> -> memref<128x128xf32, #tpu.memory_space<vmem>>
          tpu.wait_dma2 semaphore(%dma_wait3A_127 : memref<!tpu.dma_semaphore, #tpu.memory_space<semaphore_mem>>) src(%dma_wait3A_134 : memref<128x128xf32, #tpu.memory_space<vmem>>) dst(%dma_wait3A_130 : memref<128x128xf32, #tpu.memory_space<vmem_shared>>)
        } else {
        }
        %add3A_102 = arith.constant 1 : i32
        %add3A_103 = arith.addi %scan3A_62, %add3A_102 : i32
        %mul3A_104 = arith.constant 128 : i32
        %mul3A_105 = arith.muli %add3A_103, %mul3A_104 : i32
        %add3A_106 = arith.addi %mul3A_4, %mul3A_105 : i32
        %dma_start3A_107 = arith.constant 0 : i32
        %dma_start3A_108 = arith.constant 0 : i32
        %dma_start3A_109 = tpu.memref_slice %arg7[%rem3A_67, %dma_start3A_107, %dma_start3A_108] : memref<2x128x128xf32, #tpu.memory_space<vmem>> -> memref<1x128x128xf32, #tpu.memory_space<vmem>>
        %dma_start3A_110 = tpu.memref_squeeze %dma_start3A_109 : memref<1x128x128xf32, #tpu.memory_space<vmem>> -> memref<128x128xf32, #tpu.memory_space<vmem>>
        %dma_start3A_111 = tpu.memref_slice %arg3[%add3A_106, %mul3A_0] : memref<212992x256xf32, #tpu.memory_space<hbm>> -> memref<128x128xf32, #tpu.memory_space<hbm>>
        %dma_start3A_112 = tpu.memref_slice %arg9[%rem3A_67] : memref<2x!tpu.dma_semaphore, #tpu.memory_space<semaphore_mem>> -> memref<1x!tpu.dma_semaphore, #tpu.memory_space<semaphore_mem>>
        %dma_start3A_113 = tpu.memref_squeeze %dma_start3A_112 : memref<1x!tpu.dma_semaphore, #tpu.memory_space<semaphore_mem>> -> memref<!tpu.dma_semaphore, #tpu.memory_space<semaphore_mem>>
        %dma_start3A_114 = arith.constant 0 : i32
        %dma_start3A_115 = arith.constant 0 : i32
        %dma_start3A_116 = tpu.memref_slice %arg7[%rem3A_67, %dma_start3A_114, %dma_start3A_115] : memref<2x128x128xf32, #tpu.memory_space<vmem>> -> memref<1x128x128xf32, #tpu.memory_space<vmem>>
        %dma_start3A_117 = tpu.memref_squeeze %dma_start3A_116 : memref<1x128x128xf32, #tpu.memory_space<vmem>> -> memref<128x128xf32, #tpu.memory_space<vmem>>
        %dma_start3A_118 = tpu.memref_slice %arg3[%add3A_106, %mul3A_0] : memref<212992x256xf32, #tpu.memory_space<hbm>> -> memref<128x128xf32, #tpu.memory_space<hbm>>
        tpu.enqueue_dma source(%dma_start3A_118 : memref<128x128xf32, #tpu.memory_space<hbm>>) target(%dma_start3A_117 : memref<128x128xf32, #tpu.memory_space<vmem>>) target_semaphore(%dma_start3A_113 : memref<!tpu.dma_semaphore, #tpu.memory_space<semaphore_mem>>)
      } else {
      }
      %dma_start3A_86 = arith.constant 0 : i32
      %dma_start3A_87 = arith.constant 0 : i32
      %dma_start3A_88 = tpu.memref_slice %arg7[%rem3A_63, %dma_start3A_86, %dma_start3A_87] : memref<2x128x128xf32, #tpu.memory_space<vmem>> -> memref<1x128x128xf32, #tpu.memory_space<vmem>>
      %dma_start3A_89 = tpu.memref_squeeze %dma_start3A_88 : memref<1x128x128xf32, #tpu.memory_space<vmem>> -> memref<128x128xf32, #tpu.memory_space<vmem>>
      %dma_start3A_90 = arith.constant 0 : i32
      %dma_start3A_91 = tpu.memref_slice %arg6[%scan3A_62, %dma_start3A_90] : memref<104x128xi32, #tpu.memory_space<vmem>> -> memref<1x128xi32, #tpu.memory_space<vmem>>
      %dma_start3A_92 = tpu.memref_squeeze %dma_start3A_91 : memref<1x128xi32, #tpu.memory_space<vmem>> -> memref<128xi32, #tpu.memory_space<vmem>>
      %dma_start3A_93 = arith.constant 0 : i32
      %dma_start3A_94 = arith.constant 0 : i32
      %dma_start3A_95 = tpu.memref_slice %arg8[%dma_start3A_93, %dma_start3A_94] : memref<10240x128xf32, #tpu.memory_space<vmem_shared>> -> memref<10240x128xf32, #tpu.memory_space<vmem_shared>>
      %dma_start3A_96 = tpu.memref_slice %arg10[%rem3A_63] : memref<2x!tpu.dma_semaphore, #tpu.memory_space<semaphore_mem>> -> memref<1x!tpu.dma_semaphore, #tpu.memory_space<semaphore_mem>>
      %dma_start3A_97 = tpu.memref_squeeze %dma_start3A_96 : memref<1x!tpu.dma_semaphore, #tpu.memory_space<semaphore_mem>> -> memref<!tpu.dma_semaphore, #tpu.memory_space<semaphore_mem>>
      tpu.enqueue_indirect_dma source(%dma_start3A_89 : memref<128x128xf32, #tpu.memory_space<vmem>>) target(%dma_start3A_95 : memref<10240x128xf32, #tpu.memory_space<vmem_shared>>) offsets(%dma_start3A_92 : memref<128xi32, #tpu.memory_space<vmem>>) semaphore(%dma_start3A_97 : memref<!tpu.dma_semaphore, #tpu.memory_space<semaphore_mem>>) {add = true}
    }
    %scan3A_25 = arith.constant 104 : i32
    %dma_wait3A = arith.constant 0 : i32
    %dma_wait3A_26 = arith.constant 0 : i32
    %dma_wait3A_27 = arith.constant 0 : i32
    %dma_wait3A_28 = arith.constant 0 : i32
    %dma_wait3A_29 = tpu.memref_slice %arg7[%dma_wait3A, %dma_wait3A_27, %dma_wait3A_28] : memref<2x128x128xf32, #tpu.memory_space<vmem>> -> memref<1x128x128xf32, #tpu.memory_space<vmem>>
    %dma_wait3A_30 = tpu.memref_squeeze %dma_wait3A_29 : memref<1x128x128xf32, #tpu.memory_space<vmem>> -> memref<128x128xf32, #tpu.memory_space<vmem>>
    %dma_wait3A_31 = arith.constant 0 : i32
    %dma_wait3A_32 = arith.constant 0 : i32
    %dma_wait3A_33 = tpu.memref_slice %arg8[%dma_wait3A_31, %dma_wait3A_32] : memref<10240x128xf32, #tpu.memory_space<vmem_shared>> -> memref<128x128xf32, #tpu.memory_space<vmem_shared>>
    %dma_wait3A_34 = tpu.memref_slice %arg10[%dma_wait3A_26] : memref<2x!tpu.dma_semaphore, #tpu.memory_space<semaphore_mem>> -> memref<1x!tpu.dma_semaphore, #tpu.memory_space<semaphore_mem>>
    %dma_wait3A_35 = tpu.memref_squeeze %dma_wait3A_34 : memref<1x!tpu.dma_semaphore, #tpu.memory_space<semaphore_mem>> -> memref<!tpu.dma_semaphore, #tpu.memory_space<semaphore_mem>>
    %dma_wait3A_36 = arith.constant 0 : i32
    %dma_wait3A_37 = arith.constant 0 : i32
    %dma_wait3A_38 = tpu.memref_slice %arg8[%dma_wait3A_36, %dma_wait3A_37] : memref<10240x128xf32, #tpu.memory_space<vmem_shared>> -> memref<128x128xf32, #tpu.memory_space<vmem_shared>>
    %dma_wait3A_39 = arith.constant 0 : i32
    %dma_wait3A_40 = arith.constant 0 : i32
    %dma_wait3A_41 = tpu.memref_slice %arg7[%dma_wait3A, %dma_wait3A_39, %dma_wait3A_40] : memref<2x128x128xf32, #tpu.memory_space<vmem>> -> memref<1x128x128xf32, #tpu.memory_space<vmem>>
    %dma_wait3A_42 = tpu.memref_squeeze %dma_wait3A_41 : memref<1x128x128xf32, #tpu.memory_space<vmem>> -> memref<128x128xf32, #tpu.memory_space<vmem>>
    tpu.wait_dma2 semaphore(%dma_wait3A_35 : memref<!tpu.dma_semaphore, #tpu.memory_space<semaphore_mem>>) src(%dma_wait3A_42 : memref<128x128xf32, #tpu.memory_space<vmem>>) dst(%dma_wait3A_38 : memref<128x128xf32, #tpu.memory_space<vmem_shared>>)
    %dma_wait3A_43 = arith.constant 0 : i32
    %dma_wait3A_44 = arith.constant 1 : i32
    %dma_wait3A_45 = arith.constant 0 : i32
    %dma_wait3A_46 = arith.constant 0 : i32
    %dma_wait3A_47 = tpu.memref_slice %arg7[%dma_wait3A_43, %dma_wait3A_45, %dma_wait3A_46] : memref<2x128x128xf32, #tpu.memory_space<vmem>> -> memref<1x128x128xf32, #tpu.memory_space<vmem>>
    %dma_wait3A_48 = tpu.memref_squeeze %dma_wait3A_47 : memref<1x128x128xf32, #tpu.memory_space<vmem>> -> memref<128x128xf32, #tpu.memory_space<vmem>>
    %dma_wait3A_49 = arith.constant 0 : i32
    %dma_wait3A_50 = arith.constant 0 : i32
    %dma_wait3A_51 = tpu.memref_slice %arg8[%dma_wait3A_49, %dma_wait3A_50] : memref<10240x128xf32, #tpu.memory_space<vmem_shared>> -> memref<128x128xf32, #tpu.memory_space<vmem_shared>>
    %dma_wait3A_52 = tpu.memref_slice %arg10[%dma_wait3A_44] : memref<2x!tpu.dma_semaphore, #tpu.memory_space<semaphore_mem>> -> memref<1x!tpu.dma_semaphore, #tpu.memory_space<semaphore_mem>>
    %dma_wait3A_53 = tpu.memref_squeeze %dma_wait3A_52 : memref<1x!tpu.dma_semaphore, #tpu.memory_space<semaphore_mem>> -> memref<!tpu.dma_semaphore, #tpu.memory_space<semaphore_mem>>
    %dma_wait3A_54 = arith.constant 0 : i32
    %dma_wait3A_55 = arith.constant 0 : i32
    %dma_wait3A_56 = tpu.memref_slice %arg8[%dma_wait3A_54, %dma_wait3A_55] : memref<10240x128xf32, #tpu.memory_space<vmem_shared>> -> memref<128x128xf32, #tpu.memory_space<vmem_shared>>
    %dma_wait3A_57 = arith.constant 0 : i32
    %dma_wait3A_58 = arith.constant 0 : i32
    %dma_wait3A_59 = tpu.memref_slice %arg7[%dma_wait3A_43, %dma_wait3A_57, %dma_wait3A_58] : memref<2x128x128xf32, #tpu.memory_space<vmem>> -> memref<1x128x128xf32, #tpu.memory_space<vmem>>
    %dma_wait3A_60 = tpu.memref_squeeze %dma_wait3A_59 : memref<1x128x128xf32, #tpu.memory_space<vmem>> -> memref<128x128xf32, #tpu.memory_space<vmem>>
    tpu.wait_dma2 semaphore(%dma_wait3A_53 : memref<!tpu.dma_semaphore, #tpu.memory_space<semaphore_mem>>) src(%dma_wait3A_60 : memref<128x128xf32, #tpu.memory_space<vmem>>) dst(%dma_wait3A_56 : memref<128x128xf32, #tpu.memory_space<vmem_shared>>)
    %barrier3A_61 = arith.constant 0 : index
    tpu.barrier barrier_id(%barrier3A_61)
    "tpu.region"() ({
      %run_scoped3A = tpu.sem_alloc : memref<!tpu.dma_semaphore, #tpu.memory_space<semaphore_mem>>
      %dma_start3A_62 = tpu.memref_slice %arg5[%mul3A_2, %mul3A_0] : memref<10240x256xf32, #tpu.memory_space<hbm>> -> memref<640x128xf32, #tpu.memory_space<hbm>>
      %dma_start3A_63 = arith.constant 0 : i32
      %dma_start3A_64 = tpu.memref_slice %arg8[%mul3A_2, %dma_start3A_63] : memref<10240x128xf32, #tpu.memory_space<vmem_shared>> -> memref<640x128xf32, #tpu.memory_space<vmem_shared>>
      tpu.enqueue_dma source(%dma_start3A_64 : memref<640x128xf32, #tpu.memory_space<vmem_shared>>) target(%dma_start3A_62 : memref<640x128xf32, #tpu.memory_space<hbm>>) target_semaphore(%run_scoped3A : memref<!tpu.dma_semaphore, #tpu.memory_space<semaphore_mem>>)
      %dma_wait3A_65 = tpu.memref_slice %arg5[%mul3A_2, %mul3A_0] : memref<10240x256xf32, #tpu.memory_space<hbm>> -> memref<640x128xf32, #tpu.memory_space<hbm>>
      %dma_wait3A_66 = arith.constant 0 : i32
      %dma_wait3A_67 = tpu.memref_slice %arg8[%mul3A_2, %dma_wait3A_66] : memref<10240x128xf32, #tpu.memory_space<vmem_shared>> -> memref<640x128xf32, #tpu.memory_space<vmem_shared>>
      tpu.wait_dma2 semaphore(%run_scoped3A : memref<!tpu.dma_semaphore, #tpu.memory_space<semaphore_mem>>) src(%dma_wait3A_67 : memref<640x128xf32, #tpu.memory_space<vmem_shared>>) dst(%dma_wait3A_65 : memref<640x128xf32, #tpu.memory_space<hbm>>)
      tpu.yield
    }) : () -> ()
    return
  }
}

module attributes {stable_mosaic.version = 14 : i64} {
  func.func @body(%arg0: i32, %arg1: memref<832xi32, #tpu.memory_space<smem>>, %arg2: memref<256x256xf32, #tpu.memory_space<vmem>>, %arg3: memref<1x256x256xbf16, #tpu.memory_space<vmem>>, %arg4: memref<256x256xf32, #tpu.memory_space<vmem>>) attributes {dimension_semantics = [#tpu.dimension_semantics<arbitrary>], iteration_bounds = array<i64: 832>, scalar_prefetch = 1 : i64, scratch_operands = 0 : i64, tpu.core_type = #tpu.core_type<tc>, window_params = [{transform_indices = @transform_0, window_bounds = array<i64: 256, 256>}, {transform_indices = @transform_1, window_bounds = array<i64: 1, 256, 256>}, {transform_indices = @transform_2, window_bounds = array<i64: 256, 256>}]} {
    %get3A = arith.constant 0 : index
    %get3A_0 = arith.constant 0 : index
    %get3A_1 = vector.load %arg2[%get3A, %get3A_0] : memref<256x256xf32, #tpu.memory_space<vmem>>, vector<256x256xf32>
    %convert_element_type3A = arith.truncf %get3A_1 : vector<256x256xf32> to vector<256x256xbf16>
    %get3A_2 = arith.constant 0 : index
    %get3A_3 = arith.constant 0 : index
    %get3A_4 = arith.constant 0 : index
    %get3A_5 = vector.load %arg3[%get3A_2, %get3A_3, %get3A_4] : memref<1x256x256xbf16, #tpu.memory_space<vmem>>, vector<1x256x256xbf16>
    %get3A_6 = vector.shape_cast %get3A_5 : vector<1x256x256xbf16> to vector<256x256xbf16>
    %dot_general3A = arith.constant dense<0.000000e+00> : vector<256x256xf32>
    %dot_general3A_7 = tpu.matmul %convert_element_type3A, %get3A_6, %dot_general3A {dimension_numbers = #tpu.dot_dimension_numbers<[1], [0], [0], [1], [0, 0, 1, 1], [], []>, transpose_lhs_hint = false} : vector<256x256xbf16>, vector<256x256xbf16>, vector<256x256xf32> -> vector<256x256xf32>
    %swap3A = arith.constant 0 : index
    %swap3A_8 = arith.constant 0 : index
    %swap3A_9 = vector.load %arg4[%swap3A, %swap3A_8] : memref<256x256xf32, #tpu.memory_space<vmem>>, vector<256x256xf32>
    tpu.vector_store %arg4[%swap3A, %swap3A_8], %dot_general3A_7 {strides = array<i32>} : memref<256x256xf32, #tpu.memory_space<vmem>>, vector<256x256xf32>,
    return
  }
  func.func @transform_0(%arg0: i32, %arg1: memref<832xi32, #tpu.memory_space<smem>>) -> (i32, i32) {
    %c0_i32 = arith.constant 0 : i32
    %c0_i32_0 = arith.constant 0 : i32
    return %arg0, %c0_i32 : i32, i32
  }
  func.func @transform_1(%arg0: i32, %arg1: memref<832xi32, #tpu.memory_space<smem>>) -> (i32, i32, i32) {
    %get3A = arith.index_cast %arg0 : i32 to index
    %get3A_0 = memref.load %arg1[%get3A] : memref<832xi32, #tpu.memory_space<smem>>
    %c0_i32 = arith.constant 0 : i32
    %c0_i32_1 = arith.constant 0 : i32
    %c0_i32_2 = arith.constant 0 : i32
    return %get3A_0, %c0_i32, %c0_i32_1 : i32, i32, i32
  }
  func.func @transform_2(%arg0: i32, %arg1: memref<832xi32, #tpu.memory_space<smem>>) -> (i32, i32) {
    %c0_i32 = arith.constant 0 : i32
    %c0_i32_0 = arith.constant 0 : i32
    return %arg0, %c0_i32 : i32, i32
  }
}

module attributes {stable_mosaic.version = 14 : i64} {
  func.func @body(%arg0: i32, %arg1: memref<2000x256xf32, #tpu.memory_space<vmem>>, %arg2: memref<256x256xbf16, #tpu.memory_space<vmem>>, %arg3: memref<2000x256xf32, #tpu.memory_space<vmem>>) attributes {dimension_semantics = [#tpu.dimension_semantics<arbitrary>], iteration_bounds = array<i64: 5>, scalar_prefetch = 0 : i64, scratch_operands = 0 : i64, tpu.core_type = #tpu.core_type<tc>, window_params = [{transform_indices = @transform_0, window_bounds = array<i64: 2000, 256>}, {pipeline_mode = #tpu.pipeline_mode<synchronous>, transform_indices = @transform_1, window_bounds = array<i64: 256, 256>}, {transform_indices = @transform_2, window_bounds = array<i64: 2000, 256>}]} {
    %get3A = arith.constant 0 : index
    %get3A_0 = arith.constant 0 : index
    %get3A_1 = vector.load %arg1[%get3A, %get3A_0] : memref<2000x256xf32, #tpu.memory_space<vmem>>, vector<2000x256xf32>
    %convert_element_type3A = arith.truncf %get3A_1 : vector<2000x256xf32> to vector<2000x256xbf16>
    %get3A_2 = arith.constant 0 : index
    %get3A_3 = arith.constant 0 : index
    %get3A_4 = vector.load %arg2[%get3A_2, %get3A_3] : memref<256x256xbf16, #tpu.memory_space<vmem>>, vector<256x256xbf16>
    %dot_general3A = arith.constant dense<0.000000e+00> : vector<2000x256xf32>
    %dot_general3A_5 = tpu.matmul %convert_element_type3A, %get3A_4, %dot_general3A {dimension_numbers = #tpu.dot_dimension_numbers<[1], [0], [0], [1], [0, 0, 1, 1], [], []>, transpose_lhs_hint = false} : vector<2000x256xbf16>, vector<256x256xbf16>, vector<2000x256xf32> -> vector<2000x256xf32>
    %swap3A = arith.constant 0 : index
    %swap3A_6 = arith.constant 0 : index
    %swap3A_7 = vector.load %arg3[%swap3A, %swap3A_6] : memref<2000x256xf32, #tpu.memory_space<vmem>>, vector<2000x256xf32>
    tpu.vector_store %arg3[%swap3A, %swap3A_6], %dot_general3A_5 {strides = array<i32>} : memref<2000x256xf32, #tpu.memory_space<vmem>>, vector<2000x256xf32>,
    return
  }
  func.func @transform_0(%arg0: i32) -> (i32, i32) {
    %c0_i32 = arith.constant 0 : i32
    %c0_i32_0 = arith.constant 0 : i32
    return %arg0, %c0_i32 : i32, i32
  }
  func.func @transform_1(%arg0: i32) -> (i32, i32) {
    %c0_i32 = arith.constant 0 : i32
    %c0_i32_0 = arith.constant 0 : i32
    %c0_i32_1 = arith.constant 0 : i32
    return %c0_i32, %c0_i32_0 : i32, i32
  }
  func.func @transform_2(%arg0: i32) -> (i32, i32) {
    %c0_i32 = arith.constant 0 : i32
    %c0_i32_0 = arith.constant 0 : i32
    return %arg0, %c0_i32 : i32, i32
  }
}

module attributes {stable_mosaic.version = 14 : i64} {
  func.func @body(%arg0: i32, %arg1: memref<2000x256xf32, #tpu.memory_space<vmem>>, %arg2: memref<2000x1xf32, #tpu.memory_space<vmem>>, %arg3: memref<2000x256xf32, #tpu.memory_space<vmem>>, %arg4: memref<2000x256xf32, #tpu.memory_space<vmem>>) attributes {dimension_semantics = [#tpu.dimension_semantics<arbitrary>], iteration_bounds = array<i64: 5>, scalar_prefetch = 0 : i64, scratch_operands = 0 : i64, tpu.core_type = #tpu.core_type<tc>, window_params = [{transform_indices = @transform_0, window_bounds = array<i64: 2000, 256>}, {transform_indices = @transform_1, window_bounds = array<i64: 2000, 1>}, {transform_indices = @transform_2, window_bounds = array<i64: 2000, 256>}, {transform_indices = @transform_3, window_bounds = array<i64: 2000, 256>}]} {
    %get3A = arith.constant 0 : index
    %get3A_0 = arith.constant 0 : index
    %get3A_1 = vector.load %arg1[%get3A, %get3A_0] : memref<2000x256xf32, #tpu.memory_space<vmem>>, vector<2000x256xf32>
    %get3A_2 = arith.constant 0 : index
    %get3A_3 = arith.constant 0 : index
    %get3A_4 = vector.load %arg2[%get3A_2, %get3A_3] : memref<2000x1xf32, #tpu.memory_space<vmem>>, vector<2000x1xf32>
    %mul3A = vector.broadcast %get3A_4 : vector<2000x1xf32> to vector<2000x256xf32>
    %mul3A_5 = arith.mulf %get3A_1, %mul3A : vector<2000x256xf32>
    %get3A_6 = arith.constant 0 : index
    %get3A_7 = arith.constant 0 : index
    %get3A_8 = vector.load %arg3[%get3A_6, %get3A_7] : memref<2000x256xf32, #tpu.memory_space<vmem>>, vector<2000x256xf32>
    %add3A = arith.addf %mul3A_5, %get3A_8 : vector<2000x256xf32>
    %swap3A = arith.constant 0 : index
    %swap3A_9 = arith.constant 0 : index
    %swap3A_10 = vector.load %arg4[%swap3A, %swap3A_9] : memref<2000x256xf32, #tpu.memory_space<vmem>>, vector<2000x256xf32>
    tpu.vector_store %arg4[%swap3A, %swap3A_9], %add3A {strides = array<i32>} : memref<2000x256xf32, #tpu.memory_space<vmem>>, vector<2000x256xf32>,
    return
  }
  func.func @transform_0(%arg0: i32) -> (i32, i32) {
    %c0_i32 = arith.constant 0 : i32
    %c0_i32_0 = arith.constant 0 : i32
    return %arg0, %c0_i32 : i32, i32
  }
  func.func @transform_1(%arg0: i32) -> (i32, i32) {
    %c0_i32 = arith.constant 0 : i32
    %c0_i32_0 = arith.constant 0 : i32
    return %arg0, %c0_i32 : i32, i32
  }
  func.func @transform_2(%arg0: i32) -> (i32, i32) {
    %c0_i32 = arith.constant 0 : i32
    %c0_i32_0 = arith.constant 0 : i32
    return %arg0, %c0_i32 : i32, i32
  }
  func.func @transform_3(%arg0: i32) -> (i32, i32) {
    %c0_i32 = arith.constant 0 : i32
    %c0_i32_0 = arith.constant 0 : i32
    return %arg0, %c0_i32 : i32, i32
  }
}

</mosaic_0001>

<sc_bundles>
// kernel: gather_offload_async_start.1
scs
__scs_entry_jumppad:
0x0: {  	(pc) =	sbr.rel $0x88, $3  }
0x1: {  	(tag) =	ssettag $0x0;
	lr =	simm.s32 $0x1  }
0x2: {  	[smem:$0x3F9B] =	sst lr;
	_ =	strace $0xD0000000  }
0x3: {  	_ = 	snop  }
0x4: {  	_ = 	snop  }
0x5: {  	_ = 	snop  }
0x6: {  	_ = 	snop  }
0x7: {  	_ = 	snop  }
__scs_overlays_trampoline_lowered:
0x8: {  	[smem:$0x3FAA] =	sst s0  }
0x9: {  	[smem:$0x3FAB] =	sst s1  }
0xa: {  	[smem:$0x3FAC] =	sst s2  }
0xb: {  	[smem:$0x3FAD] =	sst s3  }
0xc: {  	[smem:$0x3FAE] =	sst s4  }
0xd: {  	[smem:$0x3FAF] =	sst s5  }
0xe: {  	[smem:$0x3FB0] =	sst s6  }
0xf: {  	[smem:$0x3FB1] =	sst s7  }
0x10: {  	[smem:$0x3FB2] =	sst s8  }
0x11: {  	[smem:$0x3FB3] =	sst s9;
	s0 =	simm.s32 @!p0 $0x0  }
0x12: {  	s1 =	sld [smem:$0x3F99];
	s0 =	simm.s32 @p0 $0x1  }
0x13: {  	[smem:$0x3FB4] =	sst s0;
	s0 =	simm.s32 @!p1 $0x0  }
0x14: {  	s2 =	sld [smem:$0x3F98];
	s0 =	simm.s32 @p1 $0x1  }
0x15: {  	[smem:$0x3FB5] =	sst s0;
	s0 =	simm.s32 @!p2 $0x0  }
0x16: {  	s3 =	sld [smem:$0x3FDB];
	s0 =	simm.s32 @p2 $0x1  }
0x17: {  	s4 =	simm.s32 $0x1BF5;
	[smem:$0x3FB7] =	sst s0  }
0x18: {  	s0 =	sld [smem:$0x3F9A];
	_ =	swait.ge [sflag:s4], $0x0  }
0x19: {  	s7 =	sld [smem:$0x3F9B]  }
0x1a: {  	s8 =	sadd.s32 $0xFFFFE003, lr  }
0x1b: {  	s9 =	sadd.s32 $0xFFFFFEF7, lr;
	s5 =	simm.s32 $0xFFFFFFFF;
	p2 =	slt.u32 s8, $0xFFFFF086  }
0x1c: {  	p1 =	slt.u32 s9, $0xF7A;
	s5 =	simm.s32 @!p2 $0x0  }
0x1d: {  	s5 =	simm.s32 @p1 $0x1;
	p0 =	seq.s32 s7, s2  }
0x1e: {  	s7 =	smul.u32 @!p0 $0xF7A, s2;
	p2 =	seq.s32 @!p0 s5, $0x0  }
0x1f: {  	s9 =	smul.u32 $0xF7A, s1;
	s8 =	simm.s32 @!p0 $0x1BF5;
	p2 =	por !p2, p0  }
0x20: {  	[sflag:s8] =	ssyncset.s32 @!p0 $0xFFFFF086;
	s6 =	sadd.s32 @!p0 s3, s7;
	s7 =	simm.s32 @!p0 $0x108  }
0x21: {  	s3 =	sadd.s32 s3, s9;
	s6 =	sadd.s32 @!p0 $0x88, s6;
	s7 =	simm.s32 @p2 $0x1082  }
0x22: {  	[simem:s7], [sflag:s8] =	dma.local @!p0 [hbm:s6], $0xF7A  }
0x23: {  	s9 =	sor.u32 $0xD0000000, s2;
	s6 =	simm.s32 $0x108;
	_ =	swait.ge @!p0 [sflag:s8], $0x0  }
0x24: {  	s3 =	sadd.s32 $0x88, s3;
	s6 =	simm.s32 @!p1 $0x1082;
	[sflag:s4] =	ssyncset.s32 $0xFFFFF086  }
0x25: {  	[simem:s6], [sflag:s4] =	dma.local [hbm:s3], $0xF7A  }
0x26: {  	[smem:$0x3F9B] =	sst s1;
	(tag) =	ssettag s2;
	_ =	strace s9  }
0x27: {  	s1 =	sld [smem:$0x3FAB]  }
0x28: {  	s2 =	sld [smem:$0x3FAC]  }
0x29: {  	s4 =	sld [smem:$0x3FAE]  }
0x2a: {  	p0 =	seq.s32 s5, $0x0;
	s5 =	sld [smem:$0x3FAF]  }
0x2b: {  	s6 =	sld [smem:$0x3FB0]  }
0x2c: {  	s7 =	sld [smem:$0x3FB1]  }
0x2d: {  	s3 =	simm.s32 $0x108;
	s8 =	sld [smem:$0x3FB2]  }
0x2e: {  	s3 =	simm.s32 @!p0 $0x1082;
	s9 =	sld [smem:$0x3FB3]  }
0x2f: {  	lr =	sadd.s32 s0, s3;
	s0 =	sld [smem:$0x3FAA]  }
0x30: {  	s3 =	sld [smem:$0x3FAD]  }
0x31: {  	[smem:$0x3FB6] =	sst s10  }
0x32: {  	s10 =	sld [smem:$0x3FB4];
	_ =	sdelay $0x3  }
0x33: {  	p0 =	seq.s32 s10, $0x1;
	s10 =	sld [smem:$0x3FB6];
	_ =	sdelay $0x3  }
0x34: {  	[smem:$0x3FB6] =	sst s10  }
0x35: {  	s10 =	sld [smem:$0x3FB5];
	_ =	sdelay $0x3  }
0x36: {  	p1 =	seq.s32 s10, $0x1;
	s10 =	sld [smem:$0x3FB6];
	_ =	sdelay $0x3  }
0x37: {  	[smem:$0x3FB6] =	sst s10  }
0x38: {  	s10 =	sld [smem:$0x3FB7]  }
0x39: {  	_ = 	snop;
	(pc) =	sbr.ind lr, $3  }
0x3a: {  	_ = 	snop  }
0x3b: {  	_ = 	snop  }
0x3c: {  	p2 =	seq.s32 s10, $0x1;
	s10 =	sld [smem:$0x3FB6]  }
0x3d: {  	_ =	shalt  }
0x3e: {  	_ =	shalt  }
0x3f: {  	_ =	shalt  }
0x40: {  	_ =	shalt  }
0x41: {  	_ =	shalt  }
0x42: {  	_ =	shalt  }
0x43: {  	_ =	shalt  }
0x44: {  	_ =	shalt  }
0x45: {  	_ =	shalt  }
0x46: {  	_ =	shalt  }
0x47: {  	_ =	shalt  }
0x48: {  	_ =	shalt  }
0x49: {  	_ =	shalt  }
0x4a: {  	_ =	shalt  }
0x4b: {  	_ =	shalt  }
0x4c: {  	_ =	shalt  }
0x4d: {  	_ =	shalt  }
0x4e: {  	_ =	shalt  }
0x4f: {  	_ =	shalt  }
0x50: {  	_ =	shalt  }
0x51: {  	_ =	shalt  }
0x52: {  	_ =	shalt  }
0x53: {  	_ =	shalt  }
0x54: {  	_ =	shalt  }
0x55: {  	_ =	shalt  }
0x56: {  	_ =	shalt  }
0x57: {  	_ =	shalt  }
0x58: {  	_ =	shalt  }
0x59: {  	_ =	shalt  }
0x5a: {  	_ =	shalt  }
0x5b: {  	_ =	shalt  }
0x5c: {  	_ =	shalt  }
0x5d: {  	_ =	shalt  }
0x5e: {  	_ =	shalt  }
0x5f: {  	_ =	shalt  }
0x60: {  	_ =	shalt  }
0x61: {  	_ =	shalt  }
0x62: {  	_ =	shalt  }
0x63: {  	_ =	shalt  }
0x64: {  	_ =	shalt  }
0x65: {  	_ =	shalt  }
0x66: {  	_ =	shalt  }
0x67: {  	_ =	shalt  }
0x68: {  	_ =	shalt  }
0x69: {  	_ =	shalt  }
0x6a: {  	_ =	shalt  }
0x6b: {  	_ =	shalt  }
0x6c: {  	_ =	shalt  }
0x6d: {  	_ =	shalt  }
0x6e: {  	_ =	shalt  }
0x6f: {  	_ =	shalt  }
0x70: {  	_ =	shalt  }
0x71: {  	_ =	shalt  }
0x72: {  	_ =	shalt  }
0x73: {  	_ =	shalt  }
0x74: {  	_ =	shalt  }
0x75: {  	_ =	shalt  }
0x76: {  	_ =	shalt  }
0x77: {  	_ =	shalt  }
0x78: {  	_ =	shalt  }
0x79: {  	_ =	shalt  }
0x7a: {  	_ =	shalt  }
0x7b: {  	_ =	shalt  }
0x7c: {  	_ =	shalt  }
0x7d: {  	_ =	shalt  }
0x7e: {  	_ =	shalt  }
0x7f: {  	_ =	shalt  }
0x80: {  	_ =	shalt  }
0x81: {  	_ =	shalt  }
0x82: {  	_ =	shalt  }
0x83: {  	_ =	shalt  }
0x84: {  	_ =	shalt  }
0x85: {  	_ =	shalt  }
0x86: {  	_ =	shalt  }
0x87: {  	_ =	shalt  }
.Lfunc_end0:
.L_simem_size_0:
called_computation.1_lowered:
.L_overlay_start_0:
0x88: {  	s2 =	sld [smem:$0x3FD9]  }
0x89: {  	s3 =	sld [smem:$0x3FFE];
	_ =	sdelay $0x1  }
0x8a: {  	s1 =	srdreg.scid  }
0x8b: {  	s0 =	sand.u32 $0x1, s1  }
0x8c: {  	s16 =	sshll.u32 s0, $0xA;
	s2 =	sadd.s32 s3, s2  }
0x8d: {  	s2 =	sadd.s32 s2, s16  }
0x8e: {  	[smem:$0x3FC2] =	sst s2  }
0x8f: {  	_ = 	snop  }
0x90: {  	(tm) =	ssettm $0x1  }
0x91: {  	s17 =	sld [smem:$0x3FFB];
	_ =	sdelay $0x3  }
0x92: {  	_ =	strace s17  }
0x93: {  	s2 =	sld [smem:$0x3FFC];
	_ =	sdelay $0x3  }
0x94: {  	_ =	strace s2  }
0x95: {  	s2 =	sld [smem:$0x3FFD];
	_ =	sdelay $0x3  }
0x96: {  	_ =	strace s2  }
0x97: {  	_ =	strace $0x8FFFFFFF  }
0x98: {  	s18 =	sld [smem:$0x3FDB];
	_ =	sdelay $0x1  }
0x99: {  	s19 =	simm.s32 $_scs_section_size  }
0x9a: {  	s4 =	simm.s32 $_size__tile_overlayer_lowered;
	s5 =	simm.s32 $_tile_overlayer_lowered  }
0x9b: {  	s22 =	simm.s32 $0x1BFF;
	s21 =	sshll.u32 s5, $0x1;
	s2 =	sadd.s32 s19, s18  }
0x9c: {  	s6 =	simm.s32 $0x0;
	s20 =	sshll.u32 s4, $0x1;
	s4 =	sadd.s32 s21, s2  }
0x9d: {  	[timem:s6], [sflag:s22] =	dma.local [hbm:s4], s20  }
0x9e: {  	_ =	swait.ge [sflag:s22], s20  }
0x9f: {  	s3 =	ssub.s32 $0x0, s20;
	[sflag:s22] =	ssyncset.done $0x0  }
0xa0: {  	[sflag:s22] =	ssyncadd.s32 s3;
	_ =	sdelay $0x1  }
0xa1: {  	s23 =	simm.s32 $0x1B8B  }
0xa2: {  	_ =	swait.ge [sflag:s23], $0x1  }
0xa3: {  	[sflag:s23] =	ssyncset.done $0x0  }
0xa4: {  	s25 =	simm.s32 $0x1B8E;
	s24 =	sld [smem:$0x3FFE];
	[sflag:s23] =	ssyncadd.s32 $0xFFFFFFFF  }
0xa5: {  	s26 =	simm.s32 $execute0_lowered;
	[smem:$0x3FD2] =	sst s25  }
0xa6: {  	s4 =	sshll.u32 s26, $0x1;
	_ =	strace $0x80000049;
	[dreg:$0x1] =	wrdreg $0xFFFFFFFF  }
0xa7: {  	s28 =	simm.s32 $_size_execute0_lowered;
	s2 =	sadd.s32 s2, s4;
	[dreg:$0x0] =	wrdreg $0x0  }
0xa8: {  	s4 =	sshll.u32 s28, $0x1;
	[dreg:$0x2] =	wrdreg s2  }
0xa9: {  	[dreg:$0x3] =	wrdreg s4  }
0xaa: {  	[dreg:$0x4] =	wrdreg $0xC0  }
0xab: {  	_ =	task [dreg:s6], $0x5FFFF  }
0xac: {  	[dreg:$0x1] =	wrdreg $0xFFFFFFFF  }
0xad: {  	[dreg:$0x0] =	wrdreg $0x60  }
0xae: {  	[dreg:$0x2] =	wrdreg s24  }
0xaf: {  	[dreg:$0x3] =	wrdreg $0x9  }
0xb0: {  	_ =	task.clear_ibuf [dreg:s6], $0x4FFFF;
	_ =	strace $0x90000049  }
0xb1: {  	s29 =	simm.s32 $0x9;
	_ =	strace $0x8000004B  }
0xb2: {  	_ =	swait.ge [sflag:s29], $0x1  }
0xb3: {  	[sflag:s29] =	ssyncadd.s32 $0xFFFFFFFF  }
0xb4: {  	_ =	strace $0x9000004B  }
0xb5: {  	_ =	sfence  }
0xb6: {  	s30 =	sld [smem:$0x0];
	_ =	sdelay $0x2  }
0xb7: {  	s31 =	sshll.u32 s1, $0xD;
	s1 =	sshrl.u32 s1, $0x2  }
0xb8: {  	s3 =	sand.u32 $0x4000, s31;
	s1 =	sadd.s32 s1, s30  }
0xb9: {  	s0 =	sor.u32 s3, s0;
	s1 =	sshll.u32 s1, $0x11  }
0xba: {  	s0 =	sor.u32 s1, s0  }
0xbb: {  	s0 =	sadd.s32 $0x8F2B, s0  }
0xbc: {  	[sflag:s0] =	ssyncadd.remote.s32 $0x1  }
0xbd: {  	_ =	sfence.sel $0xFFFF  }
0xbe: {  	[dreg:$0x0] =	wrdreg $0xFFFFFFFF;
	(pc) =	sbr.abs _section_cstart, $3  }
0xbf: {  	[dreg:$0x1] =	wrdreg $0xFFFFFFFF  }
0xc0: {  	_ =	task.clear_ibuf [dreg:s6], $0x2FFFF;
	_ =	strace $0x9FFFFFFF  }
0xc1: {  	(tm) =	ssettm $0x7FFFFFFF  }
tec
execute0_lowered:
.L_overlay_start_1:
0x0: {  	(tag) =	ssettag $0x1  }
0x1: {  	s8 =	rddreg [dreg:$0x0]  }
0x2: {  	s0 =	rddreg [dreg:$0x1];
	_ =	strace $0x8000004A;
	s1 =	stileid.u32  }
0x3: {  	s3 =	srdreg.scid;
	s4 =	simm.s32 $0x1;
	s7 =	simm.s32 $0x1  }
0x4: {  	s9 =	simm.s32 $0x1;
	s10 =	simm.s32 $0x3;
	s13 =	simm.s32 $0x0  }
0x5: {  	s12 =	simm.s32 $0x0;
	s5 =	sand.u32 $0x1, s3;
	s6 =	sshll.u32 s1, $0x1  }
0x6: {  	s2 =	sadd.s32 $0x8800, s8;
	s3 =	sadd.s32 $0x3800, s8;
	s5 =	sor.u32 s6, s5  }
.Ltmp0:
0x7: {  	[sflag:s4] =	ssyncpa.u1 $0x0;
	p0 =	slt.u32 s5, $0x9;
	(pc) =	sbr.rel .LBB2_1-.Ltmp0, $4  }
0x8: {  	s6 =	simm.s32 $0x2;
	s7 =	simm.s32 @!p0 $0x0;
	p0 =	sne.s32 s5, $0x8  }
0x9: {  	[sflag:s6] =	ssyncpa.u1 $0x0;
	s5 =	smul.u32 $0xFA0, s5;
	s9 =	simm.s32 @!p0 $0x0  }
0xa: {  	s8 =	sadd.s32 $0x14200, s8;
	[sflag:s10] =	ssyncpa.u1 $0x0;
	s7 =	sadd.s32 s9, s7  }
0xb: {  	vm0 =	vmmov $0xffff;
	s10 =	simm.s32 $0x0;
	s11 =	smov.u32 s5;
	s9 =	sadd.s32 $0x1, s7  }
.LBB2_4:
0xc: {  	v2 =	vnsel vm1, $0x0, v2  }
0xd: {  	vm1 =	vgt.s32 v0, $0x0;
	v2 =	vmin.u32 v2, $0x270FF  }
0xe: {  	v0 =	vnsel vm1, $0x0, v0  }
0xf: {  	v0 =	vmin.u32 v0, $0x270FF  }
0x10: {  	[tilespmem:s18], [sflag:$0x1] =	stream.indirect_vreg.gather [hbm4b:s2+s10], $0x1, v1, vm0, $0x4038;
	[tilespmem:$0x3E80] =	vst v63  }
0x11: {  	(ifvalue) =	ssetifvalue $0x7FFFFFFF  }
0x12: {  	[tilespmem:s15], [sflag:$0x1] =	stream.indirect_vreg.gather [hbm4b:s2+s10], $0x1, v2, vm0, $0x4038;
	[tilespmem:$0x3E80] =	vst v63  }
0x13: {  	s29 =	sadd.s32 $0x10, s15;
	(ifvalue) =	ssetifvalue $0x7FFFFFFF  }
0x14: {  	[tilespmem:s29], [sflag:$0x1] =	stream.indirect_vreg.gather [hbm4b:s2+s10], $0x1, v0, vm0, $0x4038;
	[tilespmem:$0x3E80] =	vst v63  }
0x15: {  	_ =	swait.ge [sflag:s4], $0xFA0  }
0x16: {  	s30 =	sshrl.u32 s13, $0x3;
	[sflag:s4] =	ssyncset.done $0x0  }
0x17: {  	s31 =	sand.u32 $0x7, s13;
	s15 =	sadd.s32 s8, s30;
	[sflag:s4] =	ssyncadd.s32 $0xFFFFF060  }
0x18: {  	[hbm4b:s15+s31] =	stream.linear.scatter [tilespmem:s14], [sflag:$0x3], $0xFA0, $0x38;
	[tilespmem:$0x3E80] =	vst v63  }
.LBB2_5:
0x19: {  	s15 =	sadd.s32 $0x1F400, s11  }
0x1a: {  	p1 =	sgt.s32 s15, $0x270FF  }
0x1b: {  	s15 =	smov.u32 @p1 s5;
	p1 =	sne.s32 s12, s9  }
.Ltmp1:
0x1c: {  	p0 =	slt.u32 s12, $0x2;
	(pc) =	sbr.rel @!p1 .LBB2_6-.Ltmp1, $4  }
0x1d: {  	s14 =	simm.s32 @!p0 $0x3  }
0x1e: {  	_ =	swait.ge @!p0 [sflag:s14], $0xFA0  }
0x1f: {  	s16 =	sadd.s32 $0x1, s12;
	s13 =	smov.u32 s11;
	[sflag:s14] =	ssyncset.done @!p0 $0x0  }
0x20: {  	s12 =	smov.u32 s16;
	s11 =	smov.u32 s15;
	[sflag:s14] =	ssyncadd.s32 @!p0 $0xFFFFF060  }
.LBB2_1:
0x21: {  	p0 =	sge.u32 s12, s7  }
0x22: {  	s14 =	sxor.u32 @!p0 $0x1, s12  }
0x23: {  	s14 =	smul.u32 @!p0 $0x3E80, s14  }
0x24: {  	s31 =	sadd.s32 $0xFFFFFFFF, s12;
	s15 =	sshrl.u32 @!p0 s11, $0x3  }
0x25: {  	s16 =	sand.u32 @!p0 $0x7, s11;
	s15 =	sadd.s32 @!p0 s3, s15;
	s14 =	sshra.s32 @!p0 s14, $0x2  }
0x26: {  	[tilespmem:s14], [sflag:$0x2] =	stream.linear.gather @!p0 [hbm4b:s15+s16], $0xFA0, $0x38;
	[tilespmem:$0x3E80] =	vst v63  }
0x27: {  	p0 =	sge.u32 s31, s7  }
.Ltmp2:
0x28: {  	_ = 	snop;
	(pc) =	sbr.rel @p0 .LBB2_5-.Ltmp2, $1  }
0x29: {  	_ =	sdelay $0x3  }
0x2a: {  	s14 =	sand.u32 $0x1, s12  }
0x2b: {  	_ =	swait.ge [sflag:s6], $0xFA0;
	p0 =	seq.s32 s14, $0x1;
	s14 =	simm.s32 $0xFA0  }
0x2c: {  	[sflag:s6] =	ssyncset.done $0x0;
	s14 =	simm.s32 @!p0 $0x0  }
0x2d: {  	[sflag:s6] =	ssyncadd.s32 $0xFFFFF060;
	(ifvalue) =	ssetifvalue $0x7FFFFFFF;
	v0 =	vld.msk [tilespmem:s14+$0x0 ss:$0x1], $0xffff;
	_ =	sdelay $0x4  }
0x2e: {  	s15 =	sadd.s32 $0x10, s14;
	vm1 =	vgt.s32 v0, $0x0  }
0x2f: {  	v2 =	vld.msk [tilespmem:s15+$0x0 ss:$0x1], $0xffff;
	v1 =	vnsel vm1, $0x0, v0  }
0x30: {  	v1 =	vmin.u32 v1, $0x270FF;
	_ =	sdelay $0x2  }
0x31: {  	s17 =	simm.s32 $0x20;
	s14 =	sadd.s32 $0x1F40, s14;
	s16 =	sadd.s32 $0x10, s15  }
0x32: {  	s15 =	sadd.s32 $0x10, s14;
	s18 =	smov.u32 s14;
	v0 =	vld.msk [tilespmem:s16+$0x0 ss:$0x1], $0xffff;
	vm1 =	vgt.s32 v2, $0x0;
	(ifvalue) =	ssetifvalue $0x7FFFFFFF  }
.LBB2_3:
0x33: {  	[tilespmem:s18], [sflag:$0x1] =	stream.indirect_vreg.gather [hbm4b:s2+s10], $0x1, v1, vm0, $0x4038;
	[tilespmem:$0x3E80] =	vst v63  }
0x34: {  	s17 =	sadd.s32 $0x10, s17  }
0x35: {  	v2 =	vnsel vm1, $0x0, v2;
	p0 =	slt.u32 s17, $0xF90  }
.Ltmp3:
0x36: {  	s18 =	smov.u32 s15;
	v1 =	vmin.u32 v2, $0x270FF;
	(pc) =	sbr.rel @p0 .LBB2_3-.Ltmp3, $3  }
0x37: {  	_ =	sdelay $0x1  }
0x38: {  	s16 =	sadd.s32 $0x10, s16  }
0x39: {  	vm1 =	vgt.s32 v0, $0x0;
	s15 =	sadd.s32 $0x10, s15;
	v2 =	vmov v0;
	(ifvalue) =	ssetifvalue $0x7FFFFFFF;
	v0 =	vld.msk [tilespmem:s16+$0x0 ss:$0x1], $0xffff  }
.Ltmp4:
0x3a: {  	_ = 	snop;
	(pc) =	sbr.rel .LBB2_4-.Ltmp4, $1  }
0x3b: {  	_ =	sdelay $0x3  }
.LBB2_6:
0x3c: {  	_ =	sfence.sel $0x180000  }
0x3d: {  	s2 =	simm.s32 $0x2;
	[bflag:$0x0] =	sbarrier.arrive $0xFFFF  }
0x3e: {  	s30 =	simm.s32 $0x3;
	[sflag:s2] =	ssyncpa.u1 $0x1  }
0x3f: {  	s31 =	simm.s32 $0x1;
	[sflag:s30] =	ssyncpa.u1 $0x1  }
0x40: {  	[sflag:s31] =	ssyncpa.u1 $0x1  }
0x41: {  	p0 =	sne.s32 s1, $0x0;
	_ =	strace $0x9000004A  }
0x42: {  	s0 =	sadd.s32 @!p0 $0x100000, s0;
	[bflag:$0x2] =	sbarrier.arrive $0xFFFF  }
0x43: {  	[sflag:s0] =	ssyncadd.tile.s32 @!p0 $0x1;
	_ =	shalt  }
.Lfunc_end2:
_tile_overlayer_lowered:
.L_overlay_start_2:
0x44: {  	(tag) =	ssettag $0x2  }
0x45: {  	s0 =	rddreg [dreg:$0x0];
	s2 =	stileid.u32  }
0x46: {  	s1 =	rddreg [dreg:$0x1];
	p0 =	sne.s32 s2, $0x0  }
0x47: {  	s3 =	rddreg [dreg:$0x2];
	[bflag:$0x3] =	sbarrier.arrive $0xFFFF;
	s2 =	simm.s32 @!p0 $0x1C01  }
0x48: {  	[timem:s3], [sflag:s2] =	dma.local @!p0 [hbm:s0], s1  }
0x49: {  	s0 =	simm.s32 @!p0 $0x1  }
0x4a: {  	_ =	swait.ge @!p0 [sflag:s0], s1  }
0x4b: {  	s1 =	ssub.s32 @!p0 $0x0, s1;
	[sflag:s0] =	ssyncset.done @!p0 $0x0  }
0x4c: {  	[sflag:s0] =	ssyncadd.s32 @!p0 s1  }
0x4d: {  	[bflag:$0x3] =	sbarrier.arrive $0xFFFF  }
0x4e: {  	_ =	shalt  }

// kernel: gather_offload_async_start.2
scs
__scs_entry_jumppad:
0x0: {  	(pc) =	sbr.rel $0x88, $3  }
0x1: {  	(tag) =	ssettag $0x0;
	lr =	simm.s32 $0x1  }
0x2: {  	[smem:$0x3F9B] =	sst lr;
	_ =	strace $0xD0000000  }
0x3: {  	_ = 	snop  }
0x4: {  	_ = 	snop  }
0x5: {  	_ = 	snop  }
0x6: {  	_ = 	snop  }
0x7: {  	_ = 	snop  }
__scs_overlays_trampoline_lowered:
0x8: {  	[smem:$0x3FAA] =	sst s0  }
0x9: {  	[smem:$0x3FAB] =	sst s1  }
0xa: {  	[smem:$0x3FAC] =	sst s2  }
0xb: {  	[smem:$0x3FAD] =	sst s3  }
0xc: {  	[smem:$0x3FAE] =	sst s4  }
0xd: {  	[smem:$0x3FAF] =	sst s5  }
0xe: {  	[smem:$0x3FB0] =	sst s6  }
0xf: {  	[smem:$0x3FB1] =	sst s7  }
0x10: {  	[smem:$0x3FB2] =	sst s8  }
0x11: {  	[smem:$0x3FB3] =	sst s9;
	s0 =	simm.s32 @!p0 $0x0  }
0x12: {  	s1 =	sld [smem:$0x3F99];
	s0 =	simm.s32 @p0 $0x1  }
0x13: {  	[smem:$0x3FB4] =	sst s0;
	s0 =	simm.s32 @!p1 $0x0  }
0x14: {  	s2 =	sld [smem:$0x3F98];
	s0 =	simm.s32 @p1 $0x1  }
0x15: {  	[smem:$0x3FB5] =	sst s0;
	s0 =	simm.s32 @!p2 $0x0  }
0x16: {  	s3 =	sld [smem:$0x3FDB];
	s0 =	simm.s32 @p2 $0x1  }
0x17: {  	s4 =	simm.s32 $0x1BF5;
	[smem:$0x3FB7] =	sst s0  }
0x18: {  	s0 =	sld [smem:$0x3F9A];
	_ =	swait.ge [sflag:s4], $0x0  }
0x19: {  	s7 =	sld [smem:$0x3F9B]  }
0x1a: {  	s8 =	sadd.s32 $0xFFFFE003, lr  }
0x1b: {  	s9 =	sadd.s32 $0xFFFFFEF7, lr;
	s5 =	simm.s32 $0xFFFFFFFF;
	p2 =	slt.u32 s8, $0xFFFFF086  }
0x1c: {  	p1 =	slt.u32 s9, $0xF7A;
	s5 =	simm.s32 @!p2 $0x0  }
0x1d: {  	s5 =	simm.s32 @p1 $0x1;
	p0 =	seq.s32 s7, s2  }
0x1e: {  	s7 =	smul.u32 @!p0 $0xF7A, s2;
	p2 =	seq.s32 @!p0 s5, $0x0  }
0x1f: {  	s9 =	smul.u32 $0xF7A, s1;
	s8 =	simm.s32 @!p0 $0x1BF5;
	p2 =	por !p2, p0  }
0x20: {  	[sflag:s8] =	ssyncset.s32 @!p0 $0xFFFFF086;
	s6 =	sadd.s32 @!p0 s3, s7;
	s7 =	simm.s32 @!p0 $0x108  }
0x21: {  	s3 =	sadd.s32 s3, s9;
	s6 =	sadd.s32 @!p0 $0x88, s6;
	s7 =	simm.s32 @p2 $0x1082  }
0x22: {  	[simem:s7], [sflag:s8] =	dma.local @!p0 [hbm:s6], $0xF7A  }
0x23: {  	s9 =	sor.u32 $0xD0000000, s2;
	s6 =	simm.s32 $0x108;
	_ =	swait.ge @!p0 [sflag:s8], $0x0  }
0x24: {  	s3 =	sadd.s32 $0x88, s3;
	s6 =	simm.s32 @!p1 $0x1082;
	[sflag:s4] =	ssyncset.s32 $0xFFFFF086  }
0x25: {  	[simem:s6], [sflag:s4] =	dma.local [hbm:s3], $0xF7A  }
0x26: {  	[smem:$0x3F9B] =	sst s1;
	(tag) =	ssettag s2;
	_ =	strace s9  }
0x27: {  	s1 =	sld [smem:$0x3FAB]  }
0x28: {  	s2 =	sld [smem:$0x3FAC]  }
0x29: {  	s4 =	sld [smem:$0x3FAE]  }
0x2a: {  	p0 =	seq.s32 s5, $0x0;
	s5 =	sld [smem:$0x3FAF]  }
0x2b: {  	s6 =	sld [smem:$0x3FB0]  }
0x2c: {  	s7 =	sld [smem:$0x3FB1]  }
0x2d: {  	s3 =	simm.s32 $0x108;
	s8 =	sld [smem:$0x3FB2]  }
0x2e: {  	s3 =	simm.s32 @!p0 $0x1082;
	s9 =	sld [smem:$0x3FB3]  }
0x2f: {  	lr =	sadd.s32 s0, s3;
	s0 =	sld [smem:$0x3FAA]  }
0x30: {  	s3 =	sld [smem:$0x3FAD]  }
0x31: {  	[smem:$0x3FB6] =	sst s10  }
0x32: {  	s10 =	sld [smem:$0x3FB4];
	_ =	sdelay $0x3  }
0x33: {  	p0 =	seq.s32 s10, $0x1;
	s10 =	sld [smem:$0x3FB6];
	_ =	sdelay $0x3  }
0x34: {  	[smem:$0x3FB6] =	sst s10  }
0x35: {  	s10 =	sld [smem:$0x3FB5];
	_ =	sdelay $0x3  }
0x36: {  	p1 =	seq.s32 s10, $0x1;
	s10 =	sld [smem:$0x3FB6];
	_ =	sdelay $0x3  }
0x37: {  	[smem:$0x3FB6] =	sst s10  }
0x38: {  	s10 =	sld [smem:$0x3FB7]  }
0x39: {  	_ = 	snop;
	(pc) =	sbr.ind lr, $3  }
0x3a: {  	_ = 	snop  }
0x3b: {  	_ = 	snop  }
0x3c: {  	p2 =	seq.s32 s10, $0x1;
	s10 =	sld [smem:$0x3FB6]  }
0x3d: {  	_ =	shalt  }
0x3e: {  	_ =	shalt  }
0x3f: {  	_ =	shalt  }
0x40: {  	_ =	shalt  }
0x41: {  	_ =	shalt  }
0x42: {  	_ =	shalt  }
0x43: {  	_ =	shalt  }
0x44: {  	_ =	shalt  }
0x45: {  	_ =	shalt  }
0x46: {  	_ =	shalt  }
0x47: {  	_ =	shalt  }
0x48: {  	_ =	shalt  }
0x49: {  	_ =	shalt  }
0x4a: {  	_ =	shalt  }
0x4b: {  	_ =	shalt  }
0x4c: {  	_ =	shalt  }
0x4d: {  	_ =	shalt  }
0x4e: {  	_ =	shalt  }
0x4f: {  	_ =	shalt  }
0x50: {  	_ =	shalt  }
0x51: {  	_ =	shalt  }
0x52: {  	_ =	shalt  }
0x53: {  	_ =	shalt  }
0x54: {  	_ =	shalt  }
0x55: {  	_ =	shalt  }
0x56: {  	_ =	shalt  }
0x57: {  	_ =	shalt  }
0x58: {  	_ =	shalt  }
0x59: {  	_ =	shalt  }
0x5a: {  	_ =	shalt  }
0x5b: {  	_ =	shalt  }
0x5c: {  	_ =	shalt  }
0x5d: {  	_ =	shalt  }
0x5e: {  	_ =	shalt  }
0x5f: {  	_ =	shalt  }
0x60: {  	_ =	shalt  }
0x61: {  	_ =	shalt  }
0x62: {  	_ =	shalt  }
0x63: {  	_ =	shalt  }
0x64: {  	_ =	shalt  }
0x65: {  	_ =	shalt  }
0x66: {  	_ =	shalt  }
0x67: {  	_ =	shalt  }
0x68: {  	_ =	shalt  }
0x69: {  	_ =	shalt  }
0x6a: {  	_ =	shalt  }
0x6b: {  	_ =	shalt  }
0x6c: {  	_ =	shalt  }
0x6d: {  	_ =	shalt  }
0x6e: {  	_ =	shalt  }
0x6f: {  	_ =	shalt  }
0x70: {  	_ =	shalt  }
0x71: {  	_ =	shalt  }
0x72: {  	_ =	shalt  }
0x73: {  	_ =	shalt  }
0x74: {  	_ =	shalt  }
0x75: {  	_ =	shalt  }
0x76: {  	_ =	shalt  }
0x77: {  	_ =	shalt  }
0x78: {  	_ =	shalt  }
0x79: {  	_ =	shalt  }
0x7a: {  	_ =	shalt  }
0x7b: {  	_ =	shalt  }
0x7c: {  	_ =	shalt  }
0x7d: {  	_ =	shalt  }
0x7e: {  	_ =	shalt  }
0x7f: {  	_ =	shalt  }
0x80: {  	_ =	shalt  }
0x81: {  	_ =	shalt  }
0x82: {  	_ =	shalt  }
0x83: {  	_ =	shalt  }
0x84: {  	_ =	shalt  }
0x85: {  	_ =	shalt  }
0x86: {  	_ =	shalt  }
0x87: {  	_ =	shalt  }
.Lfunc_end0:
.L_simem_size_0:
called_computation.2_lowered:
.L_overlay_start_0:
0x88: {  	s2 =	sld [smem:$0x3FD9]  }
0x89: {  	s3 =	sld [smem:$0x3FFE];
	_ =	sdelay $0x1  }
0x8a: {  	s1 =	srdreg.scid  }
0x8b: {  	s0 =	sand.u32 $0x1, s1  }
0x8c: {  	s17 =	sshll.u32 s0, $0xA;
	s2 =	sadd.s32 s3, s2  }
0x8d: {  	s2 =	sadd.s32 s2, s17  }
0x8e: {  	[smem:$0x3FC2] =	sst s2  }
0x8f: {  	_ = 	snop  }
0x90: {  	(tm) =	ssettm $0x1  }
0x91: {  	s18 =	sld [smem:$0x3FFB];
	_ =	sdelay $0x3  }
0x92: {  	_ =	strace s18  }
0x93: {  	s2 =	sld [smem:$0x3FFC];
	_ =	sdelay $0x3  }
0x94: {  	_ =	strace s2  }
0x95: {  	s2 =	sld [smem:$0x3FFD];
	_ =	sdelay $0x3  }
0x96: {  	_ =	strace s2  }
0x97: {  	_ =	strace $0x8FFFFFFF  }
0x98: {  	s19 =	sld [smem:$0x3FDB];
	_ =	sdelay $0x1  }
0x99: {  	s20 =	simm.s32 $_scs_section_size  }
0x9a: {  	s4 =	simm.s32 $_size__tile_overlayer_lowered;
	s5 =	simm.s32 $_tile_overlayer_lowered  }
0x9b: {  	s6 =	simm.s32 $0x1BFF;
	s21 =	sshll.u32 s5, $0x1;
	s3 =	sadd.s32 s20, s19  }
0x9c: {  	s22 =	simm.s32 $0x0;
	s4 =	sshll.u32 s4, $0x1;
	s5 =	sadd.s32 s21, s3  }
0x9d: {  	[timem:s22], [sflag:s6] =	dma.local [hbm:s5], s4  }
0x9e: {  	_ =	swait.ge [sflag:s6], s4  }
0x9f: {  	s4 =	ssub.s32 $0x0, s4;
	[sflag:s6] =	ssyncset.done $0x0  }
0xa0: {  	[sflag:s6] =	ssyncadd.s32 s4;
	_ =	sdelay $0x1  }
0xa1: {  	s23 =	simm.s32 $0x1B8B  }
0xa2: {  	_ =	swait.ge [sflag:s23], $0x1  }
0xa3: {  	[sflag:s23] =	ssyncset.done $0x0  }
0xa4: {  	[sflag:s23] =	ssyncadd.s32 $0xFFFFFFFF  }
0xa5: {  	s4 =	sld [smem:$0x0]  }
0xa6: {  	s5 =	sand.u32 $0xFFFFFFFE, s1  }
0xa7: {  	p0 =	sne.s32 s1, s5  }
0xa8: {  	s5 =	sshll.u32 @p0 s5, $0xE  }
0xa9: {  	s5 =	sadd.s32 @p0 $0x11B8D, s5;
	s6 =	sshll.u32 @p0 s4, $0x11  }
0xaa: {  	s5 =	sor.u32 @p0 s6, s5  }
0xab: {  	[sflag:s5] =	ssyncadd.remote.s32 @p0 $0x1;
	_ =	sdelay $0x1  }
0xac: {  	s5 =	simm.s32 @p0 $0x1B8D  }
0xad: {  	_ =	swait.eq @p0 [sflag:s5], $0x1  }
0xae: {  	[sflag:s5] =	ssyncadd.s32 @p0 $0xFFFFFFFF  }
0xaf: {  	s6 =	sshll.u32 @!p0 s1, $0xE  }
0xb0: {  	s6 =	sor.u32 @!p0 $0x4000, s6;
	s5 =	simm.s32 @!p0 $0x1B8D  }
0xb1: {  	s4 =	sshll.u32 @!p0 s4, $0x11;
	s6 =	sadd.s32 @!p0 $0x11B8D, s6;
	_ =	swait.eq @!p0 [sflag:s5], $0x1  }
0xb2: {  	s4 =	sor.u32 @!p0 s4, s6;
	[sflag:s5] =	ssyncadd.s32 @!p0 $0xFFFFFFFF  }
0xb3: {  	s25 =	simm.s32 $0x1B8E;
	s24 =	sld [smem:$0x3FFE];
	[sflag:s4] =	ssyncadd.remote.s32 @!p0 $0x1  }
0xb4: {  	s26 =	simm.s32 $execute0_lowered;
	[smem:$0x3FD2] =	sst s25  }
0xb5: {  	s5 =	sshll.u32 s26, $0x1;
	_ =	strace $0x8000004F;
	[dreg:$0x1] =	wrdreg $0xFFFFFFFF  }
0xb6: {  	s28 =	simm.s32 $_size_execute0_lowered;
	s3 =	sadd.s32 s3, s5;
	[dreg:$0x0] =	wrdreg $0x0  }
0xb7: {  	s5 =	sshll.u32 s28, $0x1;
	[dreg:$0x2] =	wrdreg s3  }
0xb8: {  	[dreg:$0x3] =	wrdreg s5  }
0xb9: {  	[dreg:$0x4] =	wrdreg $0xC0  }
0xba: {  	_ =	task [dreg:s22], $0x5FFFF  }
0xbb: {  	[dreg:$0x1] =	wrdreg $0xFFFFFFFF  }
0xbc: {  	[dreg:$0x0] =	wrdreg $0x60  }
0xbd: {  	[dreg:$0x2] =	wrdreg s24  }
0xbe: {  	[dreg:$0x3] =	wrdreg $0x9  }
0xbf: {  	_ =	task.clear_ibuf [dreg:s22], $0x4FFFF;
	_ =	strace $0x9000004F  }
0xc0: {  	s29 =	simm.s32 $0x9;
	_ =	strace $0x80000051  }
0xc1: {  	_ =	swait.ge [sflag:s29], $0x1  }
0xc2: {  	[sflag:s29] =	ssyncadd.s32 $0xFFFFFFFF  }
0xc3: {  	_ =	strace $0x90000051  }
0xc4: {  	_ =	sfence  }
0xc5: {  	s30 =	sld [smem:$0x0];
	_ =	sdelay $0x2  }
0xc6: {  	s31 =	sshll.u32 s1, $0xD;
	s1 =	sshrl.u32 s1, $0x2  }
0xc7: {  	s4 =	sand.u32 $0x4000, s31;
	s1 =	sadd.s32 s1, s30  }
0xc8: {  	s0 =	sor.u32 s4, s0;
	s1 =	sshll.u32 s1, $0x11  }
0xc9: {  	s0 =	sor.u32 s1, s0  }
0xca: {  	s0 =	sadd.s32 $0x8F2B, s0  }
0xcb: {  	[sflag:s0] =	ssyncadd.remote.s32 $0x1  }
0xcc: {  	_ =	sfence.sel $0xFFFF  }
0xcd: {  	[dreg:$0x0] =	wrdreg $0xFFFFFFFF;
	(pc) =	sbr.abs _section_cstart, $3  }
0xce: {  	[dreg:$0x1] =	wrdreg $0xFFFFFFFF  }
0xcf: {  	_ =	task.clear_ibuf [dreg:s22], $0x2FFFF;
	_ =	strace $0x9FFFFFFF  }
0xd0: {  	(tm) =	ssettm $0x7FFFFFFF  }
0xd1: {  	_ =	shalt  }
tec
execute0_lowered:
.L_overlay_start_1:
0x0: {  	(tag) =	ssettag $0x1  }
0x1: {  	s8 =	rddreg [dreg:$0x0]  }
0x2: {  	s0 =	rddreg [dreg:$0x1];
	_ =	strace $0x80000050;
	s1 =	stileid.u32  }
0x3: {  	s3 =	srdreg.scid;
	s4 =	simm.s32 $0x1;
	s7 =	simm.s32 $0x1  }
0x4: {  	s9 =	simm.s32 $0x1;
	s10 =	simm.s32 $0x3;
	s13 =	simm.s32 $0x0  }
0x5: {  	s12 =	simm.s32 $0x0;
	s5 =	sand.u32 $0x1, s3;
	s6 =	sshll.u32 s1, $0x1  }
0x6: {  	s2 =	sadd.s32 $0xD800, s8;
	s3 =	sadd.s32 $0x3800, s8;
	s5 =	sor.u32 s6, s5  }
.Ltmp0:
0x7: {  	[sflag:s4] =	ssyncpa.u1 $0x0;
	p0 =	slt.u32 s5, $0x9;
	(pc) =	sbr.rel .LBB2_1-.Ltmp0, $4  }
0x8: {  	s6 =	simm.s32 $0x2;
	s7 =	simm.s32 @!p0 $0x0;
	p0 =	sne.s32 s5, $0x8  }
0x9: {  	[sflag:s6] =	ssyncpa.u1 $0x0;
	s5 =	smul.u32 $0xFA0, s5;
	s9 =	simm.s32 @!p0 $0x0  }
0xa: {  	s8 =	sadd.s32 $0x8800, s8;
	[sflag:s10] =	ssyncpa.u1 $0x0;
	s7 =	sadd.s32 s9, s7  }
0xb: {  	vm0 =	vmmov $0xffff;
	s10 =	simm.s32 $0x0;
	s11 =	smov.u32 s5;
	s9 =	sadd.s32 $0x1, s7  }
.LBB2_4:
0xc: {  	v2 =	vnsel vm1, $0x0, v2  }
0xd: {  	vm1 =	vgt.s32 v0, $0x0;
	v2 =	vmin.u32 v2, $0x270FF  }
0xe: {  	v0 =	vnsel vm1, $0x0, v0  }
0xf: {  	v0 =	vmin.u32 v0, $0x270FF  }
0x10: {  	[tilespmem:s18], [sflag:$0x1] =	stream.indirect_vreg.gather [hbm4b:s2+s10], $0x1, v1, vm0, $0x4038;
	[tilespmem:$0x3E80] =	vst v63  }
0x11: {  	(ifvalue) =	ssetifvalue $0x7FFFFFFF  }
0x12: {  	[tilespmem:s15], [sflag:$0x1] =	stream.indirect_vreg.gather [hbm4b:s2+s10], $0x1, v2, vm0, $0x4038;
	[tilespmem:$0x3E80] =	vst v63  }
0x13: {  	s29 =	sadd.s32 $0x10, s15;
	(ifvalue) =	ssetifvalue $0x7FFFFFFF  }
0x14: {  	[tilespmem:s29], [sflag:$0x1] =	stream.indirect_vreg.gather [hbm4b:s2+s10], $0x1, v0, vm0, $0x4038;
	[tilespmem:$0x3E80] =	vst v63  }
0x15: {  	_ =	swait.ge [sflag:s4], $0xFA0  }
0x16: {  	s30 =	sshrl.u32 s13, $0x3;
	[sflag:s4] =	ssyncset.done $0x0  }
0x17: {  	s31 =	sand.u32 $0x7, s13;
	s15 =	sadd.s32 s8, s30;
	[sflag:s4] =	ssyncadd.s32 $0xFFFFF060  }
0x18: {  	[hbm4b:s15+s31] =	stream.linear.scatter [tilespmem:s14], [sflag:$0x3], $0xFA0, $0x38;
	[tilespmem:$0x3E80] =	vst v63  }
.LBB2_5:
0x19: {  	s15 =	sadd.s32 $0x1F400, s11  }
0x1a: {  	p1 =	sgt.s32 s15, $0x270FF  }
0x1b: {  	s15 =	smov.u32 @p1 s5;
	p1 =	sne.s32 s12, s9  }
.Ltmp1:
0x1c: {  	p0 =	slt.u32 s12, $0x2;
	(pc) =	sbr.rel @!p1 .LBB2_6-.Ltmp1, $4  }
0x1d: {  	s14 =	simm.s32 @!p0 $0x3  }
0x1e: {  	_ =	swait.ge @!p0 [sflag:s14], $0xFA0  }
0x1f: {  	s16 =	sadd.s32 $0x1, s12;
	s13 =	smov.u32 s11;
	[sflag:s14] =	ssyncset.done @!p0 $0x0  }
0x20: {  	s12 =	smov.u32 s16;
	s11 =	smov.u32 s15;
	[sflag:s14] =	ssyncadd.s32 @!p0 $0xFFFFF060  }
.LBB2_1:
0x21: {  	p0 =	sge.u32 s12, s7  }
0x22: {  	s14 =	sxor.u32 @!p0 $0x1, s12  }
0x23: {  	s14 =	smul.u32 @!p0 $0x3E80, s14  }
0x24: {  	s31 =	sadd.s32 $0xFFFFFFFF, s12;
	s15 =	sshrl.u32 @!p0 s11, $0x3  }
0x25: {  	s16 =	sand.u32 @!p0 $0x7, s11;
	s15 =	sadd.s32 @!p0 s3, s15;
	s14 =	sshra.s32 @!p0 s14, $0x2  }
0x26: {  	[tilespmem:s14], [sflag:$0x2] =	stream.linear.gather @!p0 [hbm4b:s15+s16], $0xFA0, $0x38;
	[tilespmem:$0x3E80] =	vst v63  }
0x27: {  	p0 =	sge.u32 s31, s7  }
.Ltmp2:
0x28: {  	_ = 	snop;
	(pc) =	sbr.rel @p0 .LBB2_5-.Ltmp2, $1  }
0x29: {  	_ =	sdelay $0x3  }
0x2a: {  	s14 =	sand.u32 $0x1, s12  }
0x2b: {  	_ =	swait.ge [sflag:s6], $0xFA0;
	p0 =	seq.s32 s14, $0x1;
	s14 =	simm.s32 $0xFA0  }
0x2c: {  	[sflag:s6] =	ssyncset.done $0x0;
	s14 =	simm.s32 @!p0 $0x0  }
0x2d: {  	[sflag:s6] =	ssyncadd.s32 $0xFFFFF060;
	(ifvalue) =	ssetifvalue $0x7FFFFFFF;
	v0 =	vld.msk [tilespmem:s14+$0x0 ss:$0x1], $0xffff;
	_ =	sdelay $0x4  }
0x2e: {  	s15 =	sadd.s32 $0x10, s14;
	vm1 =	vgt.s32 v0, $0x0  }
0x2f: {  	v2 =	vld.msk [tilespmem:s15+$0x0 ss:$0x1], $0xffff;
	v1 =	vnsel vm1, $0x0, v0  }
0x30: {  	v1 =	vmin.u32 v1, $0x270FF;
	_ =	sdelay $0x2  }
0x31: {  	s17 =	simm.s32 $0x20;
	s14 =	sadd.s32 $0x1F40, s14;
	s16 =	sadd.s32 $0x10, s15  }
0x32: {  	s15 =	sadd.s32 $0x10, s14;
	s18 =	smov.u32 s14;
	v0 =	vld.msk [tilespmem:s16+$0x0 ss:$0x1], $0xffff;
	vm1 =	vgt.s32 v2, $0x0;
	(ifvalue) =	ssetifvalue $0x7FFFFFFF  }
.LBB2_3:
0x33: {  	[tilespmem:s18], [sflag:$0x1] =	stream.indirect_vreg.gather [hbm4b:s2+s10], $0x1, v1, vm0, $0x4038;
	[tilespmem:$0x3E80] =	vst v63  }
0x34: {  	s17 =	sadd.s32 $0x10, s17  }
0x35: {  	v2 =	vnsel vm1, $0x0, v2;
	p0 =	slt.u32 s17, $0xF90  }
.Ltmp3:
0x36: {  	s18 =	smov.u32 s15;
	v1 =	vmin.u32 v2, $0x270FF;
	(pc) =	sbr.rel @p0 .LBB2_3-.Ltmp3, $3  }
0x37: {  	_ =	sdelay $0x1  }
0x38: {  	s16 =	sadd.s32 $0x10, s16  }
0x39: {  	vm1 =	vgt.s32 v0, $0x0;
	s15 =	sadd.s32 $0x10, s15;
	v2 =	vmov v0;
	(ifvalue) =	ssetifvalue $0x7FFFFFFF;
	v0 =	vld.msk [tilespmem:s16+$0x0 ss:$0x1], $0xffff  }
.Ltmp4:
0x3a: {  	_ = 	snop;
	(pc) =	sbr.rel .LBB2_4-.Ltmp4, $1  }
0x3b: {  	_ =	sdelay $0x3  }
.LBB2_6:
0x3c: {  	_ =	sfence.sel $0x180000  }
0x3d: {  	s2 =	simm.s32 $0x2;
	[bflag:$0x0] =	sbarrier.arrive $0xFFFF  }
0x3e: {  	s30 =	simm.s32 $0x3;
	[sflag:s2] =	ssyncpa.u1 $0x1  }
0x3f: {  	s31 =	simm.s32 $0x1;
	[sflag:s30] =	ssyncpa.u1 $0x1  }
0x40: {  	[sflag:s31] =	ssyncpa.u1 $0x1  }
0x41: {  	p0 =	sne.s32 s1, $0x0;
	_ =	strace $0x90000050  }
0x42: {  	s0 =	sadd.s32 @!p0 $0x100000, s0;
	[bflag:$0x2] =	sbarrier.arrive $0xFFFF  }
0x43: {  	[sflag:s0] =	ssyncadd.tile.s32 @!p0 $0x1;
	_ =	shalt  }
.Lfunc_end2:
_tile_overlayer_lowered:
.L_overlay_start_2:
0x44: {  	(tag) =	ssettag $0x2  }
0x45: {  	s0 =	rddreg [dreg:$0x0];
	s2 =	stileid.u32  }
0x46: {  	s1 =	rddreg [dreg:$0x1];
	p0 =	sne.s32 s2, $0x0  }
0x47: {  	s3 =	rddreg [dreg:$0x2];
	[bflag:$0x3] =	sbarrier.arrive $0xFFFF;
	s2 =	simm.s32 @!p0 $0x1C01  }
0x48: {  	[timem:s3], [sflag:s2] =	dma.local @!p0 [hbm:s0], s1  }
0x49: {  	s0 =	simm.s32 @!p0 $0x1  }
0x4a: {  	_ =	swait.ge @!p0 [sflag:s0], s1  }
0x4b: {  	s1 =	ssub.s32 @!p0 $0x0, s1;
	[sflag:s0] =	ssyncset.done @!p0 $0x0  }
0x4c: {  	[sflag:s0] =	ssyncadd.s32 @!p0 s1  }
0x4d: {  	[bflag:$0x3] =	sbarrier.arrive $0xFFFF  }
0x4e: {  	_ =	shalt  }

// kernel: gather_offload_async_start.3
scs
__scs_entry_jumppad:
0x0: {  	(pc) =	sbr.rel $0x88, $3  }
0x1: {  	(tag) =	ssettag $0x0;
	lr =	simm.s32 $0x1  }
0x2: {  	[smem:$0x3F9B] =	sst lr;
	_ =	strace $0xD0000000  }
0x3: {  	_ = 	snop  }
0x4: {  	_ = 	snop  }
0x5: {  	_ = 	snop  }
0x6: {  	_ = 	snop  }
0x7: {  	_ = 	snop  }
__scs_overlays_trampoline_lowered:
0x8: {  	[smem:$0x3FAA] =	sst s0  }
0x9: {  	[smem:$0x3FAB] =	sst s1  }
0xa: {  	[smem:$0x3FAC] =	sst s2  }
0xb: {  	[smem:$0x3FAD] =	sst s3  }
0xc: {  	[smem:$0x3FAE] =	sst s4  }
0xd: {  	[smem:$0x3FAF] =	sst s5  }
0xe: {  	[smem:$0x3FB0] =	sst s6  }
0xf: {  	[smem:$0x3FB1] =	sst s7  }
0x10: {  	[smem:$0x3FB2] =	sst s8  }
0x11: {  	[smem:$0x3FB3] =	sst s9;
	s0 =	simm.s32 @!p0 $0x0  }
0x12: {  	s1 =	sld [smem:$0x3F99];
	s0 =	simm.s32 @p0 $0x1  }
0x13: {  	[smem:$0x3FB4] =	sst s0;
	s0 =	simm.s32 @!p1 $0x0  }
0x14: {  	s2 =	sld [smem:$0x3F98];
	s0 =	simm.s32 @p1 $0x1  }
0x15: {  	[smem:$0x3FB5] =	sst s0;
	s0 =	simm.s32 @!p2 $0x0  }
0x16: {  	s3 =	sld [smem:$0x3FDB];
	s0 =	simm.s32 @p2 $0x1  }
0x17: {  	s4 =	simm.s32 $0x1BF5;
	[smem:$0x3FB7] =	sst s0  }
0x18: {  	s0 =	sld [smem:$0x3F9A];
	_ =	swait.ge [sflag:s4], $0x0  }
0x19: {  	s7 =	sld [smem:$0x3F9B]  }
0x1a: {  	s8 =	sadd.s32 $0xFFFFE003, lr  }
0x1b: {  	s9 =	sadd.s32 $0xFFFFFEF7, lr;
	s5 =	simm.s32 $0xFFFFFFFF;
	p2 =	slt.u32 s8, $0xFFFFF086  }
0x1c: {  	p1 =	slt.u32 s9, $0xF7A;
	s5 =	simm.s32 @!p2 $0x0  }
0x1d: {  	s5 =	simm.s32 @p1 $0x1;
	p0 =	seq.s32 s7, s2  }
0x1e: {  	s7 =	smul.u32 @!p0 $0xF7A, s2;
	p2 =	seq.s32 @!p0 s5, $0x0  }
0x1f: {  	s9 =	smul.u32 $0xF7A, s1;
	s8 =	simm.s32 @!p0 $0x1BF5;
	p2 =	por !p2, p0  }
0x20: {  	[sflag:s8] =	ssyncset.s32 @!p0 $0xFFFFF086;
	s6 =	sadd.s32 @!p0 s3, s7;
	s7 =	simm.s32 @!p0 $0x108  }
0x21: {  	s3 =	sadd.s32 s3, s9;
	s6 =	sadd.s32 @!p0 $0x88, s6;
	s7 =	simm.s32 @p2 $0x1082  }
0x22: {  	[simem:s7], [sflag:s8] =	dma.local @!p0 [hbm:s6], $0xF7A  }
0x23: {  	s9 =	sor.u32 $0xD0000000, s2;
	s6 =	simm.s32 $0x108;
	_ =	swait.ge @!p0 [sflag:s8], $0x0  }
0x24: {  	s3 =	sadd.s32 $0x88, s3;
	s6 =	simm.s32 @!p1 $0x1082;
	[sflag:s4] =	ssyncset.s32 $0xFFFFF086  }
0x25: {  	[simem:s6], [sflag:s4] =	dma.local [hbm:s3], $0xF7A  }
0x26: {  	[smem:$0x3F9B] =	sst s1;
	(tag) =	ssettag s2;
	_ =	strace s9  }
0x27: {  	s1 =	sld [smem:$0x3FAB]  }
0x28: {  	s2 =	sld [smem:$0x3FAC]  }
0x29: {  	s4 =	sld [smem:$0x3FAE]  }
0x2a: {  	p0 =	seq.s32 s5, $0x0;
	s5 =	sld [smem:$0x3FAF]  }
0x2b: {  	s6 =	sld [smem:$0x3FB0]  }
0x2c: {  	s7 =	sld [smem:$0x3FB1]  }
0x2d: {  	s3 =	simm.s32 $0x108;
	s8 =	sld [smem:$0x3FB2]  }
0x2e: {  	s3 =	simm.s32 @!p0 $0x1082;
	s9 =	sld [smem:$0x3FB3]  }
0x2f: {  	lr =	sadd.s32 s0, s3;
	s0 =	sld [smem:$0x3FAA]  }
0x30: {  	s3 =	sld [smem:$0x3FAD]  }
0x31: {  	[smem:$0x3FB6] =	sst s10  }
0x32: {  	s10 =	sld [smem:$0x3FB4];
	_ =	sdelay $0x3  }
0x33: {  	p0 =	seq.s32 s10, $0x1;
	s10 =	sld [smem:$0x3FB6];
	_ =	sdelay $0x3  }
0x34: {  	[smem:$0x3FB6] =	sst s10  }
0x35: {  	s10 =	sld [smem:$0x3FB5];
	_ =	sdelay $0x3  }
0x36: {  	p1 =	seq.s32 s10, $0x1;
	s10 =	sld [smem:$0x3FB6];
	_ =	sdelay $0x3  }
0x37: {  	[smem:$0x3FB6] =	sst s10  }
0x38: {  	s10 =	sld [smem:$0x3FB7]  }
0x39: {  	_ = 	snop;
	(pc) =	sbr.ind lr, $3  }
0x3a: {  	_ = 	snop  }
0x3b: {  	_ = 	snop  }
0x3c: {  	p2 =	seq.s32 s10, $0x1;
	s10 =	sld [smem:$0x3FB6]  }
0x3d: {  	_ =	shalt  }
0x3e: {  	_ =	shalt  }
0x3f: {  	_ =	shalt  }
0x40: {  	_ =	shalt  }
0x41: {  	_ =	shalt  }
0x42: {  	_ =	shalt  }
0x43: {  	_ =	shalt  }
0x44: {  	_ =	shalt  }
0x45: {  	_ =	shalt  }
0x46: {  	_ =	shalt  }
0x47: {  	_ =	shalt  }
0x48: {  	_ =	shalt  }
0x49: {  	_ =	shalt  }
0x4a: {  	_ =	shalt  }
0x4b: {  	_ =	shalt  }
0x4c: {  	_ =	shalt  }
0x4d: {  	_ =	shalt  }
0x4e: {  	_ =	shalt  }
0x4f: {  	_ =	shalt  }
0x50: {  	_ =	shalt  }
0x51: {  	_ =	shalt  }
0x52: {  	_ =	shalt  }
0x53: {  	_ =	shalt  }
0x54: {  	_ =	shalt  }
0x55: {  	_ =	shalt  }
0x56: {  	_ =	shalt  }
0x57: {  	_ =	shalt  }
0x58: {  	_ =	shalt  }
0x59: {  	_ =	shalt  }
0x5a: {  	_ =	shalt  }
0x5b: {  	_ =	shalt  }
0x5c: {  	_ =	shalt  }
0x5d: {  	_ =	shalt  }
0x5e: {  	_ =	shalt  }
0x5f: {  	_ =	shalt  }
0x60: {  	_ =	shalt  }
0x61: {  	_ =	shalt  }
0x62: {  	_ =	shalt  }
0x63: {  	_ =	shalt  }
0x64: {  	_ =	shalt  }
0x65: {  	_ =	shalt  }
0x66: {  	_ =	shalt  }
0x67: {  	_ =	shalt  }
0x68: {  	_ =	shalt  }
0x69: {  	_ =	shalt  }
0x6a: {  	_ =	shalt  }
0x6b: {  	_ =	shalt  }
0x6c: {  	_ =	shalt  }
0x6d: {  	_ =	shalt  }
0x6e: {  	_ =	shalt  }
0x6f: {  	_ =	shalt  }
0x70: {  	_ =	shalt  }
0x71: {  	_ =	shalt  }
0x72: {  	_ =	shalt  }
0x73: {  	_ =	shalt  }
0x74: {  	_ =	shalt  }
0x75: {  	_ =	shalt  }
0x76: {  	_ =	shalt  }
0x77: {  	_ =	shalt  }
0x78: {  	_ =	shalt  }
0x79: {  	_ =	shalt  }
0x7a: {  	_ =	shalt  }
0x7b: {  	_ =	shalt  }
0x7c: {  	_ =	shalt  }
0x7d: {  	_ =	shalt  }
0x7e: {  	_ =	shalt  }
0x7f: {  	_ =	shalt  }
0x80: {  	_ =	shalt  }
0x81: {  	_ =	shalt  }
0x82: {  	_ =	shalt  }
0x83: {  	_ =	shalt  }
0x84: {  	_ =	shalt  }
0x85: {  	_ =	shalt  }
0x86: {  	_ =	shalt  }
0x87: {  	_ =	shalt  }
.Lfunc_end0:
.L_simem_size_0:
called_computation.3_lowered:
.L_overlay_start_0:
0x88: {  	s2 =	sld [smem:$0x3FD9]  }
0x89: {  	s3 =	sld [smem:$0x3FFE];
	_ =	sdelay $0x1  }
0x8a: {  	s1 =	srdreg.scid  }
0x8b: {  	s0 =	sand.u32 $0x1, s1  }
0x8c: {  	s17 =	sshll.u32 s0, $0xA;
	s2 =	sadd.s32 s3, s2  }
0x8d: {  	s2 =	sadd.s32 s2, s17  }
0x8e: {  	[smem:$0x3FC2] =	sst s2  }
0x8f: {  	_ = 	snop  }
0x90: {  	s2 =	sld [smem:$0x3FD0];
	(tm) =	ssettm $0x1  }
0x91: {  	s18 =	sld [smem:$0x3FFB];
	_ =	sdelay $0x3  }
0x92: {  	_ =	strace s18  }
0x93: {  	s3 =	sld [smem:$0x3FFC];
	_ =	sdelay $0x3  }
0x94: {  	_ =	strace s3  }
0x95: {  	s3 =	sld [smem:$0x3FFD];
	_ =	sdelay $0x3  }
0x96: {  	_ =	strace s3  }
0x97: {  	_ =	strace $0x8FFFFFFF  }
0x98: {  	s19 =	sld [smem:$0x3FDB];
	_ =	sdelay $0x1  }
0x99: {  	s4 =	simm.s32 $_scs_section_size  }
0x9a: {  	s5 =	simm.s32 $_size__tile_overlayer_lowered;
	s6 =	simm.s32 $_tile_overlayer_lowered  }
0x9b: {  	s22 =	simm.s32 $0x1BFF;
	s21 =	sshll.u32 s6, $0x1;
	s3 =	sadd.s32 s4, s19  }
0x9c: {  	s7 =	simm.s32 $0x0;
	s20 =	sshll.u32 s5, $0x1;
	s5 =	sadd.s32 s21, s3  }
0x9d: {  	[timem:s7], [sflag:s22] =	dma.local [hbm:s5], s20  }
0x9e: {  	_ =	swait.ge [sflag:s22], s20  }
0x9f: {  	s4 =	ssub.s32 $0x0, s20;
	[sflag:s22] =	ssyncset.done $0x0  }
0xa0: {  	[sflag:s22] =	ssyncadd.s32 s4;
	_ =	sdelay $0x1  }
0xa1: {  	s23 =	simm.s32 $0x1B8B  }
0xa2: {  	_ =	swait.ge [sflag:s23], $0x1  }
0xa3: {  	[sflag:s23] =	ssyncset.done $0x0  }
0xa4: {  	s25 =	simm.s32 $0x1B8E;
	s24 =	sld [smem:$0x3FFE];
	[sflag:s23] =	ssyncadd.s32 $0xFFFFFFFF  }
0xa5: {  	s26 =	simm.s32 $execute0_lowered;
	[smem:$0x3FD2] =	sst s25  }
0xa6: {  	s5 =	sshll.u32 s26, $0x1;
	_ =	strace $0x8000004C;
	[dreg:$0x1] =	wrdreg $0xFFFFFFFF  }
0xa7: {  	s28 =	simm.s32 $_size_execute0_lowered;
	s3 =	sadd.s32 s3, s5;
	[dreg:$0x0] =	wrdreg $0x0  }
0xa8: {  	s5 =	sshll.u32 s28, $0x1;
	[dreg:$0x2] =	wrdreg s3  }
0xa9: {  	[dreg:$0x3] =	wrdreg s5  }
0xaa: {  	[dreg:$0x4] =	wrdreg $0xC0  }
0xab: {  	_ =	task [dreg:s7], $0x5FFFF  }
0xac: {  	[dreg:$0x1] =	wrdreg $0xFFFFFFFF  }
0xad: {  	[dreg:$0x0] =	wrdreg $0x60  }
0xae: {  	[dreg:$0x2] =	wrdreg s24  }
0xaf: {  	[dreg:$0x3] =	wrdreg s2  }
0xb0: {  	[dreg:$0x4] =	wrdreg $0xA  }
0xb1: {  	_ =	task.clear_ibuf [dreg:s7], $0x5FFFF;
	_ =	strace $0x9000004C  }
0xb2: {  	s29 =	simm.s32 $0xA;
	_ =	strace $0x8000004E  }
0xb3: {  	_ =	swait.ge [sflag:s29], $0x1  }
0xb4: {  	[sflag:s29] =	ssyncadd.s32 $0xFFFFFFFF  }
0xb5: {  	_ =	strace $0x9000004E  }
0xb6: {  	_ =	sfence  }
0xb7: {  	s30 =	sld [smem:$0x0];
	_ =	sdelay $0x2  }
0xb8: {  	s31 =	sshll.u32 s1, $0xD;
	s1 =	sshrl.u32 s1, $0x2  }
0xb9: {  	s3 =	sand.u32 $0x4000, s31;
	s1 =	sadd.s32 s1, s30  }
0xba: {  	s0 =	sor.u32 s3, s0;
	s1 =	sshll.u32 s1, $0x11  }
0xbb: {  	s0 =	sor.u32 s1, s0  }
0xbc: {  	s0 =	sadd.s32 $0x8F2B, s0  }
0xbd: {  	[sflag:s0] =	ssyncadd.remote.s32 $0x1  }
0xbe: {  	_ =	sfence.sel $0xFFFF  }
0xbf: {  	[dreg:$0x0] =	wrdreg $0xFFFFFFFF;
	(pc) =	sbr.abs _section_cstart, $3  }
0xc0: {  	[dreg:$0x1] =	wrdreg $0xFFFFFFFF  }
0xc1: {  	_ =	task.clear_ibuf [dreg:s7], $0x2FFFF;
	_ =	strace $0x9FFFFFFF  }
0xc2: {  	(tm) =	ssettm $0x7FFFFFFF  }
0xc3: {  	_ =	shalt  }
tec
execute0_lowered:
.L_overlay_start_1:
0x0: {  	(tag) =	ssettag $0x1  }
0x1: {  	s1 =	srdreg.scid;
	s5 =	rddreg [dreg:$0x0]  }
0x2: {  	s0 =	stileid.u32;
	s2 =	rddreg [dreg:$0x1];
	s6 =	simm.s32 $0x1  }
0x3: {  	s9 =	simm.s32 $0x1;
	s10 =	simm.s32 $0x3;
	s1 =	sshll.u32 s1, $0xC  }
0x4: {  	s13 =	simm.s32 $0x0;
	s3 =	sshll.u32 s0, $0xD;
	s4 =	sand.u32 $0x1000, s1  }
0x5: {  	s12 =	simm.s32 $0x0;
	s1 =	rddreg [dreg:$0x2];
	s3 =	sor.u32 s3, s4  }
0x6: {  	_ =	strace $0x8000004D;
	s4 =	sadd.s32 $0x14200, s5;
	s8 =	ssub.s32 $0x34000, s3  }
.Ltmp0:
0x7: {  	s5 =	sadd.s32 $0x19200, s5;
	s7 =	sand.u32 $0x1F000, s8;
	(pc) =	sbr.rel .LBB2_1-.Ltmp0, $4  }
0x8: {  	[sflag:s6] =	ssyncpa.u1 $0x0;
	s11 =	smov.u32 s3;
	p0 =	sne.s32 s7, $0x0  }
0x9: {  	s8 =	sshrl.u32 s8, $0x11;
	s7 =	simm.s32 $0x2;
	s9 =	simm.s32 @!p0 $0x0  }
0xa: {  	[sflag:s7] =	ssyncpa.u1 $0x0;
	p0 =	por $0x0, $0x0;
	s8 =	sadd.s32 s9, s8  }
0xb: {  	vm0 =	vmmov $0xffff;
	[sflag:s10] =	ssyncpa.u1 $0x0;
	s10 =	simm.s32 $0x0;
	s9 =	sadd.s32 $0x1, s8  }
.LBB2_4:
0xc: {  	v2 =	vnsel vm1, $0x0, v2  }
0xd: {  	vm1 =	vgt.s32 v0, $0x0;
	v2 =	vmin.u32 v2, $0x270FF  }
0xe: {  	v0 =	vnsel vm1, $0x0, v0  }
0xf: {  	v0 =	vmin.u32 v0, $0x270FF  }
0x10: {  	[tilespmem:s15], [sflag:$0x1] =	stream.indirect_vreg.gather [hbm4b:s4+s10], $0x1, v1, vm0, $0x4038;
	[tilespmem:$0x4000] =	vst v63  }
0x11: {  	(ifvalue) =	ssetifvalue $0x7FFFFFFF  }
0x12: {  	[tilespmem:s16], [sflag:$0x1] =	stream.indirect_vreg.gather [hbm4b:s4+s10], $0x1, v2, vm0, $0x4038;
	[tilespmem:$0x4000] =	vst v63  }
0x13: {  	s29 =	sadd.s32 $0x10, s16;
	(ifvalue) =	ssetifvalue $0x7FFFFFFF  }
0x14: {  	[tilespmem:s29], [sflag:$0x1] =	stream.indirect_vreg.gather [hbm4b:s4+s10], $0x1, v0, vm0, $0x4038;
	[tilespmem:$0x4000] =	vst v63  }
0x15: {  	_ =	swait.ge [sflag:s6], $0x1000  }
0x16: {  	s30 =	sshrl.u32 s13, $0x3;
	[sflag:s6] =	ssyncset.done $0x0  }
0x17: {  	s31 =	sand.u32 $0x7, s13;
	s15 =	sadd.s32 s5, s30;
	[sflag:s6] =	ssyncadd.s32 $0xFFFFF000  }
0x18: {  	[hbm4b:s15+s31] =	stream.linear.scatter [tilespmem:s14], [sflag:$0x3], $0x1000, $0x38;
	[tilespmem:$0x4000] =	vst v63  }
.LBB2_5:
0x19: {  	s15 =	sadd.s32 $0x20000, s11  }
0x1a: {  	p2 =	sgt.s32 s15, $0x33FFF  }
0x1b: {  	s15 =	smov.u32 @p2 s3;
	p2 =	sne.s32 s12, s9  }
.Ltmp1:
0x1c: {  	p1 =	slt.u32 s12, $0x2;
	(pc) =	sbr.rel @!p2 .LBB2_6-.Ltmp1, $4  }
0x1d: {  	s14 =	simm.s32 @!p1 $0x3  }
0x1e: {  	s16 =	sadd.s32 $0x1, s12;
	_ =	swait.ge @!p1 [sflag:s14], $0x1000  }
0x1f: {  	s13 =	smov.u32 s11;
	p0 =	por !p0, !p0;
	[sflag:s14] =	ssyncset.done @!p1 $0x0  }
0x20: {  	s12 =	smov.u32 s16;
	s11 =	smov.u32 s15;
	[sflag:s14] =	ssyncadd.s32 @!p1 $0xFFFFF000  }
.LBB2_1:
0x21: {  	p1 =	sge.u32 s12, s8  }
0x22: {  	s14 =	sxor.u32 @!p1 $0xFFFFFFFF, s12  }
0x23: {  	s31 =	sadd.s32 $0xFFFFFFFF, s12;
	s15 =	sshrl.u32 @!p1 s11, $0x3;
	s14 =	sshll.u32 @!p1 s14, $0xC  }
0x24: {  	s16 =	sand.u32 @!p1 $0x7, s11;
	s15 =	sadd.s32 @!p1 s2, s15;
	s14 =	sand.u32 @!p1 $0x1000, s14  }
0x25: {  	[tilespmem:s14], [sflag:$0x2] =	stream.linear.gather @!p1 [hbm4b:s15+s16], $0x1000, $0x38;
	[tilespmem:$0x4000] =	vst v63  }
0x26: {  	p1 =	sge.u32 s31, s8  }
.Ltmp2:
0x27: {  	_ = 	snop;
	(pc) =	sbr.rel @p1 .LBB2_5-.Ltmp2, $1  }
0x28: {  	_ =	sdelay $0x3  }
0x29: {  	s14 =	simm.s32 $0x1  }
0x2a: {  	_ =	swait.ge [sflag:s7], $0x1000;
	s14 =	simm.s32 @!p0 $0x0  }
0x2b: {  	[sflag:s7] =	ssyncset.done $0x0;
	s14 =	sshll.u32 s14, $0xC  }
0x2c: {  	[sflag:s7] =	ssyncadd.s32 $0xFFFFF000;
	(ifvalue) =	ssetifvalue $0x7FFFFFFF;
	v0 =	vld.msk [tilespmem:s14+$0x0 ss:$0x1], $0xffff;
	_ =	sdelay $0x4  }
0x2d: {  	s15 =	sadd.s32 $0x10, s14;
	vm1 =	vgt.s32 v0, $0x0  }
0x2e: {  	v2 =	vld.msk [tilespmem:s15+$0x0 ss:$0x1], $0xffff;
	v1 =	vnsel vm1, $0x0, v0  }
0x2f: {  	v1 =	vmin.u32 v1, $0x270FF;
	_ =	sdelay $0x1  }
0x30: {  	s16 =	sshll.u32 s12, $0xC;
	s18 =	simm.s32 $0x20  }
0x31: {  	s16 =	sand.u32 $0x1000, s16;
	s17 =	sadd.s32 $0x10, s15;
	s15 =	sor.u32 $0x2000, s14  }
0x32: {  	s14 =	sor.u32 $0x2000, s16;
	s16 =	sadd.s32 $0x10, s15;
	v0 =	vld.msk [tilespmem:s17+$0x0 ss:$0x1], $0xffff;
	vm1 =	vgt.s32 v2, $0x0;
	(ifvalue) =	ssetifvalue $0x7FFFFFFF  }
.LBB2_3:
0x33: {  	[tilespmem:s15], [sflag:$0x1] =	stream.indirect_vreg.gather [hbm4b:s4+s10], $0x1, v1, vm0, $0x4038;
	[tilespmem:$0x4000] =	vst v63  }
0x34: {  	s18 =	sadd.s32 $0x10, s18  }
0x35: {  	v2 =	vnsel vm1, $0x0, v2;
	p1 =	slt.u32 s18, $0xFF0  }
.Ltmp3:
0x36: {  	s15 =	smov.u32 s16;
	v1 =	vmin.u32 v2, $0x270FF;
	(pc) =	sbr.rel @p1 .LBB2_3-.Ltmp3, $3  }
0x37: {  	_ =	sdelay $0x1  }
0x38: {  	s17 =	sadd.s32 $0x10, s17  }
0x39: {  	vm1 =	vgt.s32 v0, $0x0;
	s16 =	sadd.s32 $0x10, s16;
	v2 =	vmov v0;
	(ifvalue) =	ssetifvalue $0x7FFFFFFF;
	v0 =	vld.msk [tilespmem:s17+$0x0 ss:$0x1], $0xffff  }
.Ltmp4:
0x3a: {  	_ = 	snop;
	(pc) =	sbr.rel .LBB2_4-.Ltmp4, $1  }
0x3b: {  	_ =	sdelay $0x3  }
.LBB2_6:
0x3c: {  	_ =	sfence.sel $0x180000  }
0x3d: {  	s2 =	simm.s32 $0x2;
	[bflag:$0x0] =	sbarrier.arrive $0xFFFF  }
0x3e: {  	s30 =	simm.s32 $0x3;
	[sflag:s2] =	ssyncpa.u1 $0x1  }
0x3f: {  	s31 =	simm.s32 $0x1;
	[sflag:s30] =	ssyncpa.u1 $0x1  }
0x40: {  	[sflag:s31] =	ssyncpa.u1 $0x1  }
0x41: {  	p0 =	sne.s32 s0, $0x0;
	_ =	strace $0x9000004D  }
0x42: {  	s0 =	sadd.s32 @!p0 $0x100000, s1;
	[bflag:$0x2] =	sbarrier.arrive $0xFFFF  }
0x43: {  	[sflag:s0] =	ssyncadd.tile.s32 @!p0 $0x1;
	_ =	shalt  }
.Lfunc_end2:
_tile_overlayer_lowered:
.L_overlay_start_2:
0x44: {  	(tag) =	ssettag $0x2  }
0x45: {  	s0 =	rddreg [dreg:$0x0];
	s2 =	stileid.u32  }
0x46: {  	s1 =	rddreg [dreg:$0x1];
	p0 =	sne.s32 s2, $0x0  }
0x47: {  	s3 =	rddreg [dreg:$0x2];
	[bflag:$0x3] =	sbarrier.arrive $0xFFFF;
	s2 =	simm.s32 @!p0 $0x1C01  }
0x48: {  	[timem:s3], [sflag:s2] =	dma.local @!p0 [hbm:s0], s1  }
0x49: {  	s0 =	simm.s32 @!p0 $0x1  }
0x4a: {  	_ =	swait.ge @!p0 [sflag:s0], s1  }
0x4b: {  	s1 =	ssub.s32 @!p0 $0x0, s1;
	[sflag:s0] =	ssyncset.done @!p0 $0x0  }
0x4c: {  	[sflag:s0] =	ssyncadd.s32 @!p0 s1  }
0x4d: {  	[bflag:$0x3] =	sbarrier.arrive $0xFFFF  }
0x4e: {  	_ =	shalt  }

// kernel: gather_offload_async_start.4
scs
__scs_entry_jumppad:
0x0: {  	(pc) =	sbr.rel $0x88, $3  }
0x1: {  	(tag) =	ssettag $0x0;
	lr =	simm.s32 $0x1  }
0x2: {  	[smem:$0x3F9B] =	sst lr;
	_ =	strace $0xD0000000  }
0x3: {  	_ = 	snop  }
0x4: {  	_ = 	snop  }
0x5: {  	_ = 	snop  }
0x6: {  	_ = 	snop  }
0x7: {  	_ = 	snop  }
__scs_overlays_trampoline_lowered:
0x8: {  	[smem:$0x3FAA] =	sst s0  }
0x9: {  	[smem:$0x3FAB] =	sst s1  }
0xa: {  	[smem:$0x3FAC] =	sst s2  }
0xb: {  	[smem:$0x3FAD] =	sst s3  }
0xc: {  	[smem:$0x3FAE] =	sst s4  }
0xd: {  	[smem:$0x3FAF] =	sst s5  }
0xe: {  	[smem:$0x3FB0] =	sst s6  }
0xf: {  	[smem:$0x3FB1] =	sst s7  }
0x10: {  	[smem:$0x3FB2] =	sst s8  }
0x11: {  	[smem:$0x3FB3] =	sst s9;
	s0 =	simm.s32 @!p0 $0x0  }
0x12: {  	s1 =	sld [smem:$0x3F99];
	s0 =	simm.s32 @p0 $0x1  }
0x13: {  	[smem:$0x3FB4] =	sst s0;
	s0 =	simm.s32 @!p1 $0x0  }
0x14: {  	s2 =	sld [smem:$0x3F98];
	s0 =	simm.s32 @p1 $0x1  }
0x15: {  	[smem:$0x3FB5] =	sst s0;
	s0 =	simm.s32 @!p2 $0x0  }
0x16: {  	s3 =	sld [smem:$0x3FDB];
	s0 =	simm.s32 @p2 $0x1  }
0x17: {  	s4 =	simm.s32 $0x1BF5;
	[smem:$0x3FB7] =	sst s0  }
0x18: {  	s0 =	sld [smem:$0x3F9A];
	_ =	swait.ge [sflag:s4], $0x0  }
0x19: {  	s7 =	sld [smem:$0x3F9B]  }
0x1a: {  	s8 =	sadd.s32 $0xFFFFE003, lr  }
0x1b: {  	s9 =	sadd.s32 $0xFFFFFEF7, lr;
	s5 =	simm.s32 $0xFFFFFFFF;
	p2 =	slt.u32 s8, $0xFFFFF086  }
0x1c: {  	p1 =	slt.u32 s9, $0xF7A;
	s5 =	simm.s32 @!p2 $0x0  }
0x1d: {  	s5 =	simm.s32 @p1 $0x1;
	p0 =	seq.s32 s7, s2  }
0x1e: {  	s7 =	smul.u32 @!p0 $0xF7A, s2;
	p2 =	seq.s32 @!p0 s5, $0x0  }
0x1f: {  	s9 =	smul.u32 $0xF7A, s1;
	s8 =	simm.s32 @!p0 $0x1BF5;
	p2 =	por !p2, p0  }
0x20: {  	[sflag:s8] =	ssyncset.s32 @!p0 $0xFFFFF086;
	s6 =	sadd.s32 @!p0 s3, s7;
	s7 =	simm.s32 @!p0 $0x108  }
0x21: {  	s3 =	sadd.s32 s3, s9;
	s6 =	sadd.s32 @!p0 $0x88, s6;
	s7 =	simm.s32 @p2 $0x1082  }
0x22: {  	[simem:s7], [sflag:s8] =	dma.local @!p0 [hbm:s6], $0xF7A  }
0x23: {  	s9 =	sor.u32 $0xD0000000, s2;
	s6 =	simm.s32 $0x108;
	_ =	swait.ge @!p0 [sflag:s8], $0x0  }
0x24: {  	s3 =	sadd.s32 $0x88, s3;
	s6 =	simm.s32 @!p1 $0x1082;
	[sflag:s4] =	ssyncset.s32 $0xFFFFF086  }
0x25: {  	[simem:s6], [sflag:s4] =	dma.local [hbm:s3], $0xF7A  }
0x26: {  	[smem:$0x3F9B] =	sst s1;
	(tag) =	ssettag s2;
	_ =	strace s9  }
0x27: {  	s1 =	sld [smem:$0x3FAB]  }
0x28: {  	s2 =	sld [smem:$0x3FAC]  }
0x29: {  	s4 =	sld [smem:$0x3FAE]  }
0x2a: {  	p0 =	seq.s32 s5, $0x0;
	s5 =	sld [smem:$0x3FAF]  }
0x2b: {  	s6 =	sld [smem:$0x3FB0]  }
0x2c: {  	s7 =	sld [smem:$0x3FB1]  }
0x2d: {  	s3 =	simm.s32 $0x108;
	s8 =	sld [smem:$0x3FB2]  }
0x2e: {  	s3 =	simm.s32 @!p0 $0x1082;
	s9 =	sld [smem:$0x3FB3]  }
0x2f: {  	lr =	sadd.s32 s0, s3;
	s0 =	sld [smem:$0x3FAA]  }
0x30: {  	s3 =	sld [smem:$0x3FAD]  }
0x31: {  	[smem:$0x3FB6] =	sst s10  }
0x32: {  	s10 =	sld [smem:$0x3FB4];
	_ =	sdelay $0x3  }
0x33: {  	p0 =	seq.s32 s10, $0x1;
	s10 =	sld [smem:$0x3FB6];
	_ =	sdelay $0x3  }
0x34: {  	[smem:$0x3FB6] =	sst s10  }
0x35: {  	s10 =	sld [smem:$0x3FB5];
	_ =	sdelay $0x3  }
0x36: {  	p1 =	seq.s32 s10, $0x1;
	s10 =	sld [smem:$0x3FB6];
	_ =	sdelay $0x3  }
0x37: {  	[smem:$0x3FB6] =	sst s10  }
0x38: {  	s10 =	sld [smem:$0x3FB7]  }
0x39: {  	_ = 	snop;
	(pc) =	sbr.ind lr, $3  }
0x3a: {  	_ = 	snop  }
0x3b: {  	_ = 	snop  }
0x3c: {  	p2 =	seq.s32 s10, $0x1;
	s10 =	sld [smem:$0x3FB6]  }
0x3d: {  	_ =	shalt  }
0x3e: {  	_ =	shalt  }
0x3f: {  	_ =	shalt  }
0x40: {  	_ =	shalt  }
0x41: {  	_ =	shalt  }
0x42: {  	_ =	shalt  }
0x43: {  	_ =	shalt  }
0x44: {  	_ =	shalt  }
0x45: {  	_ =	shalt  }
0x46: {  	_ =	shalt  }
0x47: {  	_ =	shalt  }
0x48: {  	_ =	shalt  }
0x49: {  	_ =	shalt  }
0x4a: {  	_ =	shalt  }
0x4b: {  	_ =	shalt  }
0x4c: {  	_ =	shalt  }
0x4d: {  	_ =	shalt  }
0x4e: {  	_ =	shalt  }
0x4f: {  	_ =	shalt  }
0x50: {  	_ =	shalt  }
0x51: {  	_ =	shalt  }
0x52: {  	_ =	shalt  }
0x53: {  	_ =	shalt  }
0x54: {  	_ =	shalt  }
0x55: {  	_ =	shalt  }
0x56: {  	_ =	shalt  }
0x57: {  	_ =	shalt  }
0x58: {  	_ =	shalt  }
0x59: {  	_ =	shalt  }
0x5a: {  	_ =	shalt  }
0x5b: {  	_ =	shalt  }
0x5c: {  	_ =	shalt  }
0x5d: {  	_ =	shalt  }
0x5e: {  	_ =	shalt  }
0x5f: {  	_ =	shalt  }
0x60: {  	_ =	shalt  }
0x61: {  	_ =	shalt  }
0x62: {  	_ =	shalt  }
0x63: {  	_ =	shalt  }
0x64: {  	_ =	shalt  }
0x65: {  	_ =	shalt  }
0x66: {  	_ =	shalt  }
0x67: {  	_ =	shalt  }
0x68: {  	_ =	shalt  }
0x69: {  	_ =	shalt  }
0x6a: {  	_ =	shalt  }
0x6b: {  	_ =	shalt  }
0x6c: {  	_ =	shalt  }
0x6d: {  	_ =	shalt  }
0x6e: {  	_ =	shalt  }
0x6f: {  	_ =	shalt  }
0x70: {  	_ =	shalt  }
0x71: {  	_ =	shalt  }
0x72: {  	_ =	shalt  }
0x73: {  	_ =	shalt  }
0x74: {  	_ =	shalt  }
0x75: {  	_ =	shalt  }
0x76: {  	_ =	shalt  }
0x77: {  	_ =	shalt  }
0x78: {  	_ =	shalt  }
0x79: {  	_ =	shalt  }
0x7a: {  	_ =	shalt  }
0x7b: {  	_ =	shalt  }
0x7c: {  	_ =	shalt  }
0x7d: {  	_ =	shalt  }
0x7e: {  	_ =	shalt  }
0x7f: {  	_ =	shalt  }
0x80: {  	_ =	shalt  }
0x81: {  	_ =	shalt  }
0x82: {  	_ =	shalt  }
0x83: {  	_ =	shalt  }
0x84: {  	_ =	shalt  }
0x85: {  	_ =	shalt  }
0x86: {  	_ =	shalt  }
0x87: {  	_ =	shalt  }
.Lfunc_end0:
.L_simem_size_0:
called_computation.4_lowered:
.L_overlay_start_0:
0x88: {  	s2 =	sld [smem:$0x3FD9]  }
0x89: {  	s3 =	sld [smem:$0x3FFE];
	_ =	sdelay $0x1  }
0x8a: {  	s1 =	srdreg.scid  }
0x8b: {  	s0 =	sand.u32 $0x1, s1  }
0x8c: {  	s17 =	sshll.u32 s0, $0xA;
	s2 =	sadd.s32 s3, s2  }
0x8d: {  	s2 =	sadd.s32 s2, s17  }
0x8e: {  	[smem:$0x3FC2] =	sst s2  }
0x8f: {  	_ = 	snop  }
0x90: {  	s2 =	sld [smem:$0x3FD0];
	(tm) =	ssettm $0x1  }
0x91: {  	s18 =	sld [smem:$0x3FFB];
	_ =	sdelay $0x3  }
0x92: {  	_ =	strace s18  }
0x93: {  	s3 =	sld [smem:$0x3FFC];
	_ =	sdelay $0x3  }
0x94: {  	_ =	strace s3  }
0x95: {  	s3 =	sld [smem:$0x3FFD];
	_ =	sdelay $0x3  }
0x96: {  	_ =	strace s3  }
0x97: {  	_ =	strace $0x8FFFFFFF  }
0x98: {  	s19 =	sld [smem:$0x3FDB];
	_ =	sdelay $0x1  }
0x99: {  	s4 =	simm.s32 $_scs_section_size  }
0x9a: {  	s5 =	simm.s32 $_size__tile_overlayer_lowered;
	s6 =	simm.s32 $_tile_overlayer_lowered  }
0x9b: {  	s22 =	simm.s32 $0x1BFF;
	s21 =	sshll.u32 s6, $0x1;
	s3 =	sadd.s32 s4, s19  }
0x9c: {  	s7 =	simm.s32 $0x0;
	s20 =	sshll.u32 s5, $0x1;
	s5 =	sadd.s32 s21, s3  }
0x9d: {  	[timem:s7], [sflag:s22] =	dma.local [hbm:s5], s20  }
0x9e: {  	_ =	swait.ge [sflag:s22], s20  }
0x9f: {  	s4 =	ssub.s32 $0x0, s20;
	[sflag:s22] =	ssyncset.done $0x0  }
0xa0: {  	[sflag:s22] =	ssyncadd.s32 s4;
	_ =	sdelay $0x1  }
0xa1: {  	s23 =	simm.s32 $0x1B8B  }
0xa2: {  	_ =	swait.ge [sflag:s23], $0x1  }
0xa3: {  	[sflag:s23] =	ssyncset.done $0x0  }
0xa4: {  	s25 =	simm.s32 $0x1B8E;
	s24 =	sld [smem:$0x3FFE];
	[sflag:s23] =	ssyncadd.s32 $0xFFFFFFFF  }
0xa5: {  	s26 =	simm.s32 $execute0_lowered;
	[smem:$0x3FD2] =	sst s25  }
0xa6: {  	s5 =	sshll.u32 s26, $0x1;
	_ =	strace $0x80000052;
	[dreg:$0x1] =	wrdreg $0xFFFFFFFF  }
0xa7: {  	s28 =	simm.s32 $_size_execute0_lowered;
	s3 =	sadd.s32 s3, s5;
	[dreg:$0x0] =	wrdreg $0x0  }
0xa8: {  	s5 =	sshll.u32 s28, $0x1;
	[dreg:$0x2] =	wrdreg s3  }
0xa9: {  	[dreg:$0x3] =	wrdreg s5  }
0xaa: {  	[dreg:$0x4] =	wrdreg $0xC0  }
0xab: {  	_ =	task [dreg:s7], $0x5FFFF  }
0xac: {  	[dreg:$0x1] =	wrdreg $0xFFFFFFFF  }
0xad: {  	[dreg:$0x0] =	wrdreg $0x60  }
0xae: {  	[dreg:$0x2] =	wrdreg s24  }
0xaf: {  	[dreg:$0x3] =	wrdreg s2  }
0xb0: {  	[dreg:$0x4] =	wrdreg $0x9  }
0xb1: {  	_ =	task.clear_ibuf [dreg:s7], $0x5FFFF;
	_ =	strace $0x90000052  }
0xb2: {  	s29 =	simm.s32 $0x9;
	_ =	strace $0x80000054  }
0xb3: {  	_ =	swait.ge [sflag:s29], $0x1  }
0xb4: {  	[sflag:s29] =	ssyncadd.s32 $0xFFFFFFFF  }
0xb5: {  	_ =	strace $0x90000054  }
0xb6: {  	_ =	sfence  }
0xb7: {  	s30 =	sld [smem:$0x0];
	_ =	sdelay $0x2  }
0xb8: {  	s31 =	sshll.u32 s1, $0xD;
	s1 =	sshrl.u32 s1, $0x2  }
0xb9: {  	s3 =	sand.u32 $0x4000, s31;
	s1 =	sadd.s32 s1, s30  }
0xba: {  	s0 =	sor.u32 s3, s0;
	s1 =	sshll.u32 s1, $0x11  }
0xbb: {  	s0 =	sor.u32 s1, s0  }
0xbc: {  	s0 =	sadd.s32 $0x8F2B, s0  }
0xbd: {  	[sflag:s0] =	ssyncadd.remote.s32 $0x1  }
0xbe: {  	_ =	sfence.sel $0xFFFF  }
0xbf: {  	[dreg:$0x0] =	wrdreg $0xFFFFFFFF;
	(pc) =	sbr.abs _section_cstart, $3  }
0xc0: {  	[dreg:$0x1] =	wrdreg $0xFFFFFFFF  }
0xc1: {  	_ =	task.clear_ibuf [dreg:s7], $0x2FFFF;
	_ =	strace $0x9FFFFFFF  }
0xc2: {  	(tm) =	ssettm $0x7FFFFFFF  }
0xc3: {  	_ =	shalt  }
tec
execute0_lowered:
.L_overlay_start_1:
0x0: {  	(tag) =	ssettag $0x1  }
0x1: {  	s1 =	srdreg.scid;
	s5 =	rddreg [dreg:$0x0]  }
0x2: {  	s0 =	stileid.u32;
	s2 =	rddreg [dreg:$0x1];
	s6 =	simm.s32 $0x1  }
0x3: {  	s9 =	simm.s32 $0x1;
	s10 =	simm.s32 $0x3;
	s1 =	sshll.u32 s1, $0xC  }
0x4: {  	s13 =	simm.s32 $0x0;
	s3 =	sshll.u32 s0, $0xD;
	s4 =	sand.u32 $0x1000, s1  }
0x5: {  	s12 =	simm.s32 $0x0;
	s1 =	rddreg [dreg:$0x2];
	s3 =	sor.u32 s3, s4  }
0x6: {  	_ =	strace $0x80000053;
	s4 =	sadd.s32 $0x8800, s5;
	s8 =	ssub.s32 $0x34000, s3  }
.Ltmp0:
0x7: {  	s5 =	sadd.s32 $0x19000, s5;
	s7 =	sand.u32 $0x1F000, s8;
	(pc) =	sbr.rel .LBB2_1-.Ltmp0, $4  }
0x8: {  	[sflag:s6] =	ssyncpa.u1 $0x0;
	s11 =	smov.u32 s3;
	p0 =	sne.s32 s7, $0x0  }
0x9: {  	s8 =	sshrl.u32 s8, $0x11;
	s7 =	simm.s32 $0x2;
	s9 =	simm.s32 @!p0 $0x0  }
0xa: {  	[sflag:s7] =	ssyncpa.u1 $0x0;
	p0 =	por $0x0, $0x0;
	s8 =	sadd.s32 s9, s8  }
0xb: {  	vm0 =	vmmov $0xffff;
	[sflag:s10] =	ssyncpa.u1 $0x0;
	s10 =	simm.s32 $0x0;
	s9 =	sadd.s32 $0x1, s8  }
.LBB2_4:
0xc: {  	v2 =	vnsel vm1, $0x0, v2  }
0xd: {  	vm1 =	vgt.s32 v0, $0x0;
	v2 =	vmin.u32 v2, $0x270FF  }
0xe: {  	v0 =	vnsel vm1, $0x0, v0  }
0xf: {  	v0 =	vmin.u32 v0, $0x270FF  }
0x10: {  	[tilespmem:s15], [sflag:$0x1] =	stream.indirect_vreg.gather [hbm4b:s4+s10], $0x1, v1, vm0, $0x4038;
	[tilespmem:$0x4000] =	vst v63  }
0x11: {  	(ifvalue) =	ssetifvalue $0x7FFFFFFF  }
0x12: {  	[tilespmem:s16], [sflag:$0x1] =	stream.indirect_vreg.gather [hbm4b:s4+s10], $0x1, v2, vm0, $0x4038;
	[tilespmem:$0x4000] =	vst v63  }
0x13: {  	s29 =	sadd.s32 $0x10, s16;
	(ifvalue) =	ssetifvalue $0x7FFFFFFF  }
0x14: {  	[tilespmem:s29], [sflag:$0x1] =	stream.indirect_vreg.gather [hbm4b:s4+s10], $0x1, v0, vm0, $0x4038;
	[tilespmem:$0x4000] =	vst v63  }
0x15: {  	_ =	swait.ge [sflag:s6], $0x1000  }
0x16: {  	s30 =	sshrl.u32 s13, $0x3;
	[sflag:s6] =	ssyncset.done $0x0  }
0x17: {  	s31 =	sand.u32 $0x7, s13;
	s15 =	sadd.s32 s5, s30;
	[sflag:s6] =	ssyncadd.s32 $0xFFFFF000  }
0x18: {  	[hbm4b:s15+s31] =	stream.linear.scatter [tilespmem:s14], [sflag:$0x3], $0x1000, $0x38;
	[tilespmem:$0x4000] =	vst v63  }
.LBB2_5:
0x19: {  	s15 =	sadd.s32 $0x20000, s11  }
0x1a: {  	p2 =	sgt.s32 s15, $0x33FFF  }
0x1b: {  	s15 =	smov.u32 @p2 s3;
	p2 =	sne.s32 s12, s9  }
.Ltmp1:
0x1c: {  	p1 =	slt.u32 s12, $0x2;
	(pc) =	sbr.rel @!p2 .LBB2_6-.Ltmp1, $4  }
0x1d: {  	s14 =	simm.s32 @!p1 $0x3  }
0x1e: {  	s16 =	sadd.s32 $0x1, s12;
	_ =	swait.ge @!p1 [sflag:s14], $0x1000  }
0x1f: {  	s13 =	smov.u32 s11;
	p0 =	por !p0, !p0;
	[sflag:s14] =	ssyncset.done @!p1 $0x0  }
0x20: {  	s12 =	smov.u32 s16;
	s11 =	smov.u32 s15;
	[sflag:s14] =	ssyncadd.s32 @!p1 $0xFFFFF000  }
.LBB2_1:
0x21: {  	p1 =	sge.u32 s12, s8  }
0x22: {  	s14 =	sxor.u32 @!p1 $0xFFFFFFFF, s12  }
0x23: {  	s31 =	sadd.s32 $0xFFFFFFFF, s12;
	s15 =	sshrl.u32 @!p1 s11, $0x3;
	s14 =	sshll.u32 @!p1 s14, $0xC  }
0x24: {  	s16 =	sand.u32 @!p1 $0x7, s11;
	s15 =	sadd.s32 @!p1 s2, s15;
	s14 =	sand.u32 @!p1 $0x1000, s14  }
0x25: {  	[tilespmem:s14], [sflag:$0x2] =	stream.linear.gather @!p1 [hbm4b:s15+s16], $0x1000, $0x38;
	[tilespmem:$0x4000] =	vst v63  }
0x26: {  	p1 =	sge.u32 s31, s8  }
.Ltmp2:
0x27: {  	_ = 	snop;
	(pc) =	sbr.rel @p1 .LBB2_5-.Ltmp2, $1  }
0x28: {  	_ =	sdelay $0x3  }
0x29: {  	s14 =	simm.s32 $0x1  }
0x2a: {  	_ =	swait.ge [sflag:s7], $0x1000;
	s14 =	simm.s32 @!p0 $0x0  }
0x2b: {  	[sflag:s7] =	ssyncset.done $0x0;
	s14 =	sshll.u32 s14, $0xC  }
0x2c: {  	[sflag:s7] =	ssyncadd.s32 $0xFFFFF000;
	(ifvalue) =	ssetifvalue $0x7FFFFFFF;
	v0 =	vld.msk [tilespmem:s14+$0x0 ss:$0x1], $0xffff;
	_ =	sdelay $0x4  }
0x2d: {  	s15 =	sadd.s32 $0x10, s14;
	vm1 =	vgt.s32 v0, $0x0  }
0x2e: {  	v2 =	vld.msk [tilespmem:s15+$0x0 ss:$0x1], $0xffff;
	v1 =	vnsel vm1, $0x0, v0  }
0x2f: {  	v1 =	vmin.u32 v1, $0x270FF;
	_ =	sdelay $0x1  }
0x30: {  	s16 =	sshll.u32 s12, $0xC;
	s18 =	simm.s32 $0x20  }
0x31: {  	s16 =	sand.u32 $0x1000, s16;
	s17 =	sadd.s32 $0x10, s15;
	s15 =	sor.u32 $0x2000, s14  }
0x32: {  	s14 =	sor.u32 $0x2000, s16;
	s16 =	sadd.s32 $0x10, s15;
	v0 =	vld.msk [tilespmem:s17+$0x0 ss:$0x1], $0xffff;
	vm1 =	vgt.s32 v2, $0x0;
	(ifvalue) =	ssetifvalue $0x7FFFFFFF  }
.LBB2_3:
0x33: {  	[tilespmem:s15], [sflag:$0x1] =	stream.indirect_vreg.gather [hbm4b:s4+s10], $0x1, v1, vm0, $0x4038;
	[tilespmem:$0x4000] =	vst v63  }
0x34: {  	s18 =	sadd.s32 $0x10, s18  }
0x35: {  	v2 =	vnsel vm1, $0x0, v2;
	p1 =	slt.u32 s18, $0xFF0  }
.Ltmp3:
0x36: {  	s15 =	smov.u32 s16;
	v1 =	vmin.u32 v2, $0x270FF;
	(pc) =	sbr.rel @p1 .LBB2_3-.Ltmp3, $3  }
0x37: {  	_ =	sdelay $0x1  }
0x38: {  	s17 =	sadd.s32 $0x10, s17  }
0x39: {  	vm1 =	vgt.s32 v0, $0x0;
	s16 =	sadd.s32 $0x10, s16;
	v2 =	vmov v0;
	(ifvalue) =	ssetifvalue $0x7FFFFFFF;
	v0 =	vld.msk [tilespmem:s17+$0x0 ss:$0x1], $0xffff  }
.Ltmp4:
0x3a: {  	_ = 	snop;
	(pc) =	sbr.rel .LBB2_4-.Ltmp4, $1  }
0x3b: {  	_ =	sdelay $0x3  }
.LBB2_6:
0x3c: {  	_ =	sfence.sel $0x180000  }
0x3d: {  	s2 =	simm.s32 $0x2;
	[bflag:$0x0] =	sbarrier.arrive $0xFFFF  }
0x3e: {  	s30 =	simm.s32 $0x3;
	[sflag:s2] =	ssyncpa.u1 $0x1  }
0x3f: {  	s31 =	simm.s32 $0x1;
	[sflag:s30] =	ssyncpa.u1 $0x1  }
0x40: {  	[sflag:s31] =	ssyncpa.u1 $0x1  }
0x41: {  	p0 =	sne.s32 s0, $0x0;
	_ =	strace $0x90000053  }
0x42: {  	s0 =	sadd.s32 @!p0 $0x100000, s1;
	[bflag:$0x2] =	sbarrier.arrive $0xFFFF  }
0x43: {  	[sflag:s0] =	ssyncadd.tile.s32 @!p0 $0x1;
	_ =	shalt  }
.Lfunc_end2:
_tile_overlayer_lowered:
.L_overlay_start_2:
0x44: {  	(tag) =	ssettag $0x2  }
0x45: {  	s0 =	rddreg [dreg:$0x0];
	s2 =	stileid.u32  }
0x46: {  	s1 =	rddreg [dreg:$0x1];
	p0 =	sne.s32 s2, $0x0  }
0x47: {  	s3 =	rddreg [dreg:$0x2];
	[bflag:$0x3] =	sbarrier.arrive $0xFFFF;
	s2 =	simm.s32 @!p0 $0x1C01  }
0x48: {  	[timem:s3], [sflag:s2] =	dma.local @!p0 [hbm:s0], s1  }
0x49: {  	s0 =	simm.s32 @!p0 $0x1  }
0x4a: {  	_ =	swait.ge @!p0 [sflag:s0], s1  }
0x4b: {  	s1 =	ssub.s32 @!p0 $0x0, s1;
	[sflag:s0] =	ssyncset.done @!p0 $0x0  }
0x4c: {  	[sflag:s0] =	ssyncadd.s32 @!p0 s1  }
0x4d: {  	[bflag:$0x3] =	sbarrier.arrive $0xFFFF  }
0x4e: {  	_ =	shalt  }

// kernel: gather_offload_async_start
scs
__scs_entry_jumppad:
0x0: {  	(pc) =	sbr.rel $0x88, $3  }
0x1: {  	(tag) =	ssettag $0x0;
	lr =	simm.s32 $0x1  }
0x2: {  	[smem:$0x3F9B] =	sst lr;
	_ =	strace $0xD0000000  }
0x3: {  	_ = 	snop  }
0x4: {  	_ = 	snop  }
0x5: {  	_ = 	snop  }
0x6: {  	_ = 	snop  }
0x7: {  	_ = 	snop  }
__scs_overlays_trampoline_lowered:
0x8: {  	[smem:$0x3FAA] =	sst s0  }
0x9: {  	[smem:$0x3FAB] =	sst s1  }
0xa: {  	[smem:$0x3FAC] =	sst s2  }
0xb: {  	[smem:$0x3FAD] =	sst s3  }
0xc: {  	[smem:$0x3FAE] =	sst s4  }
0xd: {  	[smem:$0x3FAF] =	sst s5  }
0xe: {  	[smem:$0x3FB0] =	sst s6  }
0xf: {  	[smem:$0x3FB1] =	sst s7  }
0x10: {  	[smem:$0x3FB2] =	sst s8  }
0x11: {  	[smem:$0x3FB3] =	sst s9;
	s0 =	simm.s32 @!p0 $0x0  }
0x12: {  	s1 =	sld [smem:$0x3F99];
	s0 =	simm.s32 @p0 $0x1  }
0x13: {  	[smem:$0x3FB4] =	sst s0;
	s0 =	simm.s32 @!p1 $0x0  }
0x14: {  	s2 =	sld [smem:$0x3F98];
	s0 =	simm.s32 @p1 $0x1  }
0x15: {  	[smem:$0x3FB5] =	sst s0;
	s0 =	simm.s32 @!p2 $0x0  }
0x16: {  	s3 =	sld [smem:$0x3FDB];
	s0 =	simm.s32 @p2 $0x1  }
0x17: {  	s4 =	simm.s32 $0x1BF5;
	[smem:$0x3FB7] =	sst s0  }
0x18: {  	s0 =	sld [smem:$0x3F9A];
	_ =	swait.ge [sflag:s4], $0x0  }
0x19: {  	s7 =	sld [smem:$0x3F9B]  }
0x1a: {  	s8 =	sadd.s32 $0xFFFFE003, lr  }
0x1b: {  	s9 =	sadd.s32 $0xFFFFFEF7, lr;
	s5 =	simm.s32 $0xFFFFFFFF;
	p2 =	slt.u32 s8, $0xFFFFF086  }
0x1c: {  	p1 =	slt.u32 s9, $0xF7A;
	s5 =	simm.s32 @!p2 $0x0  }
0x1d: {  	s5 =	simm.s32 @p1 $0x1;
	p0 =	seq.s32 s7, s2  }
0x1e: {  	s7 =	smul.u32 @!p0 $0xF7A, s2;
	p2 =	seq.s32 @!p0 s5, $0x0  }
0x1f: {  	s9 =	smul.u32 $0xF7A, s1;
	s8 =	simm.s32 @!p0 $0x1BF5;
	p2 =	por !p2, p0  }
0x20: {  	[sflag:s8] =	ssyncset.s32 @!p0 $0xFFFFF086;
	s6 =	sadd.s32 @!p0 s3, s7;
	s7 =	simm.s32 @!p0 $0x108  }
0x21: {  	s3 =	sadd.s32 s3, s9;
	s6 =	sadd.s32 @!p0 $0x88, s6;
	s7 =	simm.s32 @p2 $0x1082  }
0x22: {  	[simem:s7], [sflag:s8] =	dma.local @!p0 [hbm:s6], $0xF7A  }
0x23: {  	s9 =	sor.u32 $0xD0000000, s2;
	s6 =	simm.s32 $0x108;
	_ =	swait.ge @!p0 [sflag:s8], $0x0  }
0x24: {  	s3 =	sadd.s32 $0x88, s3;
	s6 =	simm.s32 @!p1 $0x1082;
	[sflag:s4] =	ssyncset.s32 $0xFFFFF086  }
0x25: {  	[simem:s6], [sflag:s4] =	dma.local [hbm:s3], $0xF7A  }
0x26: {  	[smem:$0x3F9B] =	sst s1;
	(tag) =	ssettag s2;
	_ =	strace s9  }
0x27: {  	s1 =	sld [smem:$0x3FAB]  }
0x28: {  	s2 =	sld [smem:$0x3FAC]  }
0x29: {  	s4 =	sld [smem:$0x3FAE]  }
0x2a: {  	p0 =	seq.s32 s5, $0x0;
	s5 =	sld [smem:$0x3FAF]  }
0x2b: {  	s6 =	sld [smem:$0x3FB0]  }
0x2c: {  	s7 =	sld [smem:$0x3FB1]  }
0x2d: {  	s3 =	simm.s32 $0x108;
	s8 =	sld [smem:$0x3FB2]  }
0x2e: {  	s3 =	simm.s32 @!p0 $0x1082;
	s9 =	sld [smem:$0x3FB3]  }
0x2f: {  	lr =	sadd.s32 s0, s3;
	s0 =	sld [smem:$0x3FAA]  }
0x30: {  	s3 =	sld [smem:$0x3FAD]  }
0x31: {  	[smem:$0x3FB6] =	sst s10  }
0x32: {  	s10 =	sld [smem:$0x3FB4];
	_ =	sdelay $0x3  }
0x33: {  	p0 =	seq.s32 s10, $0x1;
	s10 =	sld [smem:$0x3FB6];
	_ =	sdelay $0x3  }
0x34: {  	[smem:$0x3FB6] =	sst s10  }
0x35: {  	s10 =	sld [smem:$0x3FB5];
	_ =	sdelay $0x3  }
0x36: {  	p1 =	seq.s32 s10, $0x1;
	s10 =	sld [smem:$0x3FB6];
	_ =	sdelay $0x3  }
0x37: {  	[smem:$0x3FB6] =	sst s10  }
0x38: {  	s10 =	sld [smem:$0x3FB7]  }
0x39: {  	_ = 	snop;
	(pc) =	sbr.ind lr, $3  }
0x3a: {  	_ = 	snop  }
0x3b: {  	_ = 	snop  }
0x3c: {  	p2 =	seq.s32 s10, $0x1;
	s10 =	sld [smem:$0x3FB6]  }
0x3d: {  	_ =	shalt  }
0x3e: {  	_ =	shalt  }
0x3f: {  	_ =	shalt  }
0x40: {  	_ =	shalt  }
0x41: {  	_ =	shalt  }
0x42: {  	_ =	shalt  }
0x43: {  	_ =	shalt  }
0x44: {  	_ =	shalt  }
0x45: {  	_ =	shalt  }
0x46: {  	_ =	shalt  }
0x47: {  	_ =	shalt  }
0x48: {  	_ =	shalt  }
0x49: {  	_ =	shalt  }
0x4a: {  	_ =	shalt  }
0x4b: {  	_ =	shalt  }
0x4c: {  	_ =	shalt  }
0x4d: {  	_ =	shalt  }
0x4e: {  	_ =	shalt  }
0x4f: {  	_ =	shalt  }
0x50: {  	_ =	shalt  }
0x51: {  	_ =	shalt  }
0x52: {  	_ =	shalt  }
0x53: {  	_ =	shalt  }
0x54: {  	_ =	shalt  }
0x55: {  	_ =	shalt  }
0x56: {  	_ =	shalt  }
0x57: {  	_ =	shalt  }
0x58: {  	_ =	shalt  }
0x59: {  	_ =	shalt  }
0x5a: {  	_ =	shalt  }
0x5b: {  	_ =	shalt  }
0x5c: {  	_ =	shalt  }
0x5d: {  	_ =	shalt  }
0x5e: {  	_ =	shalt  }
0x5f: {  	_ =	shalt  }
0x60: {  	_ =	shalt  }
0x61: {  	_ =	shalt  }
0x62: {  	_ =	shalt  }
0x63: {  	_ =	shalt  }
0x64: {  	_ =	shalt  }
0x65: {  	_ =	shalt  }
0x66: {  	_ =	shalt  }
0x67: {  	_ =	shalt  }
0x68: {  	_ =	shalt  }
0x69: {  	_ =	shalt  }
0x6a: {  	_ =	shalt  }
0x6b: {  	_ =	shalt  }
0x6c: {  	_ =	shalt  }
0x6d: {  	_ =	shalt  }
0x6e: {  	_ =	shalt  }
0x6f: {  	_ =	shalt  }
0x70: {  	_ =	shalt  }
0x71: {  	_ =	shalt  }
0x72: {  	_ =	shalt  }
0x73: {  	_ =	shalt  }
0x74: {  	_ =	shalt  }
0x75: {  	_ =	shalt  }
0x76: {  	_ =	shalt  }
0x77: {  	_ =	shalt  }
0x78: {  	_ =	shalt  }
0x79: {  	_ =	shalt  }
0x7a: {  	_ =	shalt  }
0x7b: {  	_ =	shalt  }
0x7c: {  	_ =	shalt  }
0x7d: {  	_ =	shalt  }
0x7e: {  	_ =	shalt  }
0x7f: {  	_ =	shalt  }
0x80: {  	_ =	shalt  }
0x81: {  	_ =	shalt  }
0x82: {  	_ =	shalt  }
0x83: {  	_ =	shalt  }
0x84: {  	_ =	shalt  }
0x85: {  	_ =	shalt  }
0x86: {  	_ =	shalt  }
0x87: {  	_ =	shalt  }
.Lfunc_end0:
.L_simem_size_0:
called_computation_lowered:
.L_overlay_start_0:
0x88: {  	s2 =	sld [smem:$0x3FD9]  }
0x89: {  	s3 =	sld [smem:$0x3FFE];
	_ =	sdelay $0x1  }
0x8a: {  	s1 =	srdreg.scid  }
0x8b: {  	s0 =	sand.u32 $0x1, s1  }
0x8c: {  	s17 =	sshll.u32 s0, $0xA;
	s2 =	sadd.s32 s3, s2  }
0x8d: {  	s2 =	sadd.s32 s2, s17  }
0x8e: {  	[smem:$0x3FC2] =	sst s2  }
0x8f: {  	_ = 	snop  }
0x90: {  	s2 =	sld [smem:$0x3FC7]  }
0x91: {  	s18 =	sld [smem:$0x3FD0];
	(tm) =	ssettm $0x1  }
0x92: {  	s4 =	sld [smem:$0x3FFB];
	_ =	sdelay $0x3  }
0x93: {  	_ =	strace s4  }
0x94: {  	s4 =	sld [smem:$0x3FFC];
	_ =	sdelay $0x3  }
0x95: {  	_ =	strace s4  }
0x96: {  	s4 =	sld [smem:$0x3FFD];
	_ =	sdelay $0x3  }
0x97: {  	_ =	strace s4  }
0x98: {  	_ =	strace $0x8FFFFFFF  }
0x99: {  	s19 =	sld [smem:$0x3FDB];
	_ =	sdelay $0x1  }
0x9a: {  	s5 =	simm.s32 $_scs_section_size  }
0x9b: {  	s6 =	simm.s32 $_size__tile_overlayer_lowered;
	s7 =	simm.s32 $_tile_overlayer_lowered  }
0x9c: {  	s22 =	simm.s32 $0x1BFF;
	s21 =	sshll.u32 s7, $0x1;
	s4 =	sadd.s32 s5, s19  }
0x9d: {  	s8 =	simm.s32 $0x0;
	s20 =	sshll.u32 s6, $0x1;
	s6 =	sadd.s32 s21, s4  }
0x9e: {  	[timem:s8], [sflag:s22] =	dma.local [hbm:s6], s20  }
0x9f: {  	_ =	swait.ge [sflag:s22], s20  }
0xa0: {  	s5 =	ssub.s32 $0x0, s20;
	[sflag:s22] =	ssyncset.done $0x0  }
0xa1: {  	[sflag:s22] =	ssyncadd.s32 s5;
	_ =	sdelay $0x1  }
0xa2: {  	s23 =	simm.s32 $0x1B8B  }
0xa3: {  	_ =	swait.ge [sflag:s23], $0x1  }
0xa4: {  	[sflag:s23] =	ssyncset.done $0x0  }
0xa5: {  	s25 =	simm.s32 $0x1B8E;
	s24 =	sld [smem:$0x3FFE];
	[sflag:s23] =	ssyncadd.s32 $0xFFFFFFFF  }
0xa6: {  	s26 =	simm.s32 $execute0_lowered;
	[smem:$0x3FD2] =	sst s25  }
0xa7: {  	s6 =	sshll.u32 s26, $0x1;
	_ =	strace $0x80000046;
	[dreg:$0x1] =	wrdreg $0xFFFFFFFF  }
0xa8: {  	s28 =	simm.s32 $_size_execute0_lowered;
	s4 =	sadd.s32 s4, s6;
	[dreg:$0x0] =	wrdreg $0x0  }
0xa9: {  	s6 =	sshll.u32 s28, $0x1;
	[dreg:$0x2] =	wrdreg s4  }
0xaa: {  	[dreg:$0x3] =	wrdreg s6  }
0xab: {  	[dreg:$0x4] =	wrdreg $0xC0  }
0xac: {  	_ =	task [dreg:s8], $0x5FFFF  }
0xad: {  	[dreg:$0x1] =	wrdreg $0xFFFFFFFF  }
0xae: {  	[dreg:$0x0] =	wrdreg $0x60  }
0xaf: {  	[dreg:$0x2] =	wrdreg s2  }
0xb0: {  	[dreg:$0x3] =	wrdreg s24  }
0xb1: {  	[dreg:$0x4] =	wrdreg s18  }
0xb2: {  	[dreg:$0x5] =	wrdreg $0x9  }
0xb3: {  	_ =	task.clear_ibuf [dreg:s8], $0x6FFFF;
	_ =	strace $0x90000046  }
0xb4: {  	s29 =	simm.s32 $0x9;
	_ =	strace $0x80000048  }
0xb5: {  	_ =	swait.ge [sflag:s29], $0x1  }
0xb6: {  	[sflag:s29] =	ssyncadd.s32 $0xFFFFFFFF  }
0xb7: {  	_ =	strace $0x90000048  }
0xb8: {  	_ =	sfence  }
0xb9: {  	s30 =	sld [smem:$0x0];
	_ =	sdelay $0x2  }
0xba: {  	s31 =	sshll.u32 s1, $0xD;
	s1 =	sshrl.u32 s1, $0x2  }
0xbb: {  	s3 =	sand.u32 $0x4000, s31;
	s1 =	sadd.s32 s1, s30  }
0xbc: {  	s0 =	sor.u32 s3, s0;
	s1 =	sshll.u32 s1, $0x11  }
0xbd: {  	s0 =	sor.u32 s1, s0  }
0xbe: {  	s0 =	sadd.s32 $0x8F2B, s0  }
0xbf: {  	[sflag:s0] =	ssyncadd.remote.s32 $0x1  }
0xc0: {  	_ =	sfence.sel $0xFFFF  }
0xc1: {  	[dreg:$0x0] =	wrdreg $0xFFFFFFFF;
	(pc) =	sbr.abs _section_cstart, $3  }
0xc2: {  	[dreg:$0x1] =	wrdreg $0xFFFFFFFF  }
0xc3: {  	_ =	task.clear_ibuf [dreg:s8], $0x2FFFF;
	_ =	strace $0x9FFFFFFF  }
0xc4: {  	(tm) =	ssettm $0x7FFFFFFF  }
0xc5: {  	_ =	shalt  }
tec
execute0_lowered:
.L_overlay_start_1:
0x0: {  	(tag) =	ssettag $0x1  }
0x1: {  	s2 =	rddreg [dreg:$0x0]  }
0x2: {  	s8 =	rddreg [dreg:$0x1]  }
0x3: {  	s3 =	rddreg [dreg:$0x2];
	s1 =	stileid.u32  }
0x4: {  	s4 =	srdreg.scid;
	s0 =	rddreg [dreg:$0x3];
	_ =	strace $0x80000047  }
0x5: {  	s7 =	simm.s32 $0x1;
	s9 =	simm.s32 $0x1;
	s10 =	simm.s32 $0x3  }
0x6: {  	s13 =	simm.s32 $0x0;
	s5 =	sand.u32 $0x1, s4;
	s6 =	sshll.u32 s1, $0x1  }
0x7: {  	s12 =	simm.s32 $0x0;
	s4 =	simm.s32 $0x1;
	s5 =	sor.u32 s6, s5  }
.Ltmp0:
0x8: {  	[sflag:s4] =	ssyncpa.u1 $0x0;
	p0 =	slt.u32 s5, $0x9;
	(pc) =	sbr.rel .LBB2_1-.Ltmp0, $4  }
0x9: {  	s6 =	simm.s32 $0x2;
	s7 =	simm.s32 @!p0 $0x0;
	p0 =	sne.s32 s5, $0x8  }
0xa: {  	[sflag:s6] =	ssyncpa.u1 $0x0;
	s5 =	smul.u32 $0xFA0, s5;
	s9 =	simm.s32 @!p0 $0x0  }
0xb: {  	s8 =	sadd.s32 $0x3800, s8;
	[sflag:s10] =	ssyncpa.u1 $0x0;
	s7 =	sadd.s32 s9, s7  }
0xc: {  	vm0 =	vmmov $0xffff;
	s10 =	simm.s32 $0x0;
	s11 =	smov.u32 s5;
	s9 =	sadd.s32 $0x1, s7  }
.LBB2_4:
0xd: {  	v2 =	vnsel vm1, $0x0, v2  }
0xe: {  	vm1 =	vgt.s32 v0, $0x0;
	v2 =	vmin.u32 v2, $0x270FF  }
0xf: {  	v0 =	vnsel vm1, $0x0, v0  }
0x10: {  	v0 =	vmin.u32 v0, $0x270FF  }
0x11: {  	[tilespmem:s18], [sflag:$0x1] =	stream.indirect_vreg.gather [hbm4b:s2+s10], $0x1, v1, vm0, $0x4038;
	[tilespmem:$0x3E80] =	vst v63  }
0x12: {  	(ifvalue) =	ssetifvalue $0x7FFFFFFF  }
0x13: {  	[tilespmem:s15], [sflag:$0x1] =	stream.indirect_vreg.gather [hbm4b:s2+s10], $0x1, v2, vm0, $0x4038;
	[tilespmem:$0x3E80] =	vst v63  }
0x14: {  	s29 =	sadd.s32 $0x10, s15;
	(ifvalue) =	ssetifvalue $0x7FFFFFFF  }
0x15: {  	[tilespmem:s29], [sflag:$0x1] =	stream.indirect_vreg.gather [hbm4b:s2+s10], $0x1, v0, vm0, $0x4038;
	[tilespmem:$0x3E80] =	vst v63  }
0x16: {  	_ =	swait.ge [sflag:s4], $0xFA0  }
0x17: {  	s30 =	sshrl.u32 s13, $0x3;
	[sflag:s4] =	ssyncset.done $0x0  }
0x18: {  	s31 =	sand.u32 $0x7, s13;
	s15 =	sadd.s32 s3, s30;
	[sflag:s4] =	ssyncadd.s32 $0xFFFFF060  }
0x19: {  	[hbm4b:s15+s31] =	stream.linear.scatter [tilespmem:s14], [sflag:$0x3], $0xFA0, $0x38;
	[tilespmem:$0x3E80] =	vst v63  }
.LBB2_5:
0x1a: {  	s15 =	sadd.s32 $0x1F400, s11  }
0x1b: {  	p1 =	sgt.s32 s15, $0x270FF  }
0x1c: {  	s15 =	smov.u32 @p1 s5;
	p1 =	sne.s32 s12, s9  }
.Ltmp1:
0x1d: {  	p0 =	slt.u32 s12, $0x2;
	(pc) =	sbr.rel @!p1 .LBB2_6-.Ltmp1, $4  }
0x1e: {  	s14 =	simm.s32 @!p0 $0x3  }
0x1f: {  	_ =	swait.ge @!p0 [sflag:s14], $0xFA0  }
0x20: {  	s16 =	sadd.s32 $0x1, s12;
	s13 =	smov.u32 s11;
	[sflag:s14] =	ssyncset.done @!p0 $0x0  }
0x21: {  	s12 =	smov.u32 s16;
	s11 =	smov.u32 s15;
	[sflag:s14] =	ssyncadd.s32 @!p0 $0xFFFFF060  }
.LBB2_1:
0x22: {  	p0 =	sge.u32 s12, s7  }
0x23: {  	s14 =	sxor.u32 @!p0 $0x1, s12  }
0x24: {  	s14 =	smul.u32 @!p0 $0x3E80, s14  }
0x25: {  	s31 =	sadd.s32 $0xFFFFFFFF, s12;
	s15 =	sshrl.u32 @!p0 s11, $0x3  }
0x26: {  	s16 =	sand.u32 @!p0 $0x7, s11;
	s15 =	sadd.s32 @!p0 s8, s15;
	s14 =	sshra.s32 @!p0 s14, $0x2  }
0x27: {  	[tilespmem:s14], [sflag:$0x2] =	stream.linear.gather @!p0 [hbm4b:s15+s16], $0xFA0, $0x38;
	[tilespmem:$0x3E80] =	vst v63  }
0x28: {  	p0 =	sge.u32 s31, s7  }
.Ltmp2:
0x29: {  	_ = 	snop;
	(pc) =	sbr.rel @p0 .LBB2_5-.Ltmp2, $1  }
0x2a: {  	_ =	sdelay $0x3  }
0x2b: {  	s14 =	sand.u32 $0x1, s12  }
0x2c: {  	_ =	swait.ge [sflag:s6], $0xFA0;
	p0 =	seq.s32 s14, $0x1;
	s14 =	simm.s32 $0xFA0  }
0x2d: {  	[sflag:s6] =	ssyncset.done $0x0;
	s14 =	simm.s32 @!p0 $0x0  }
0x2e: {  	[sflag:s6] =	ssyncadd.s32 $0xFFFFF060;
	(ifvalue) =	ssetifvalue $0x7FFFFFFF;
	v0 =	vld.msk [tilespmem:s14+$0x0 ss:$0x1], $0xffff;
	_ =	sdelay $0x4  }
0x2f: {  	s15 =	sadd.s32 $0x10, s14;
	vm1 =	vgt.s32 v0, $0x0  }
0x30: {  	v2 =	vld.msk [tilespmem:s15+$0x0 ss:$0x1], $0xffff;
	v1 =	vnsel vm1, $0x0, v0  }
0x31: {  	v1 =	vmin.u32 v1, $0x270FF;
	_ =	sdelay $0x2  }
0x32: {  	s17 =	simm.s32 $0x20;
	s14 =	sadd.s32 $0x1F40, s14;
	s16 =	sadd.s32 $0x10, s15  }
0x33: {  	s15 =	sadd.s32 $0x10, s14;
	s18 =	smov.u32 s14;
	v0 =	vld.msk [tilespmem:s16+$0x0 ss:$0x1], $0xffff;
	vm1 =	vgt.s32 v2, $0x0;
	(ifvalue) =	ssetifvalue $0x7FFFFFFF  }
.LBB2_3:
0x34: {  	[tilespmem:s18], [sflag:$0x1] =	stream.indirect_vreg.gather [hbm4b:s2+s10], $0x1, v1, vm0, $0x4038;
	[tilespmem:$0x3E80] =	vst v63  }
0x35: {  	s17 =	sadd.s32 $0x10, s17  }
0x36: {  	v2 =	vnsel vm1, $0x0, v2;
	p0 =	slt.u32 s17, $0xF90  }
.Ltmp3:
0x37: {  	s18 =	smov.u32 s15;
	v1 =	vmin.u32 v2, $0x270FF;
	(pc) =	sbr.rel @p0 .LBB2_3-.Ltmp3, $3  }
0x38: {  	_ =	sdelay $0x1  }
0x39: {  	s16 =	sadd.s32 $0x10, s16  }
0x3a: {  	vm1 =	vgt.s32 v0, $0x0;
	s15 =	sadd.s32 $0x10, s15;
	v2 =	vmov v0;
	(ifvalue) =	ssetifvalue $0x7FFFFFFF;
	v0 =	vld.msk [tilespmem:s16+$0x0 ss:$0x1], $0xffff  }
.Ltmp4:
0x3b: {  	_ = 	snop;
	(pc) =	sbr.rel .LBB2_4-.Ltmp4, $1  }
0x3c: {  	_ =	sdelay $0x3  }
.LBB2_6:
0x3d: {  	_ =	sfence.sel $0x180000  }
0x3e: {  	s2 =	simm.s32 $0x2;
	[bflag:$0x0] =	sbarrier.arrive $0xFFFF  }
0x3f: {  	s30 =	simm.s32 $0x3;
	[sflag:s2] =	ssyncpa.u1 $0x1  }
0x40: {  	s31 =	simm.s32 $0x1;
	[sflag:s30] =	ssyncpa.u1 $0x1  }
0x41: {  	[sflag:s31] =	ssyncpa.u1 $0x1  }
0x42: {  	p0 =	sne.s32 s1, $0x0;
	_ =	strace $0x90000047  }
0x43: {  	s0 =	sadd.s32 @!p0 $0x100000, s0;
	[bflag:$0x2] =	sbarrier.arrive $0xFFFF  }
0x44: {  	[sflag:s0] =	ssyncadd.tile.s32 @!p0 $0x1;
	_ =	shalt  }
.Lfunc_end2:
_tile_overlayer_lowered:
.L_overlay_start_2:
0x45: {  	(tag) =	ssettag $0x2  }
0x46: {  	s0 =	rddreg [dreg:$0x0];
	s2 =	stileid.u32  }
0x47: {  	s1 =	rddreg [dreg:$0x1];
	p0 =	sne.s32 s2, $0x0  }
0x48: {  	s3 =	rddreg [dreg:$0x2];
	[bflag:$0x3] =	sbarrier.arrive $0xFFFF;
	s2 =	simm.s32 @!p0 $0x1C01  }
0x49: {  	[timem:s3], [sflag:s2] =	dma.local @!p0 [hbm:s0], s1  }
0x4a: {  	s0 =	simm.s32 @!p0 $0x1  }
0x4b: {  	_ =	swait.ge @!p0 [sflag:s0], s1  }
0x4c: {  	s1 =	ssub.s32 @!p0 $0x0, s1;
	[sflag:s0] =	ssyncset.done @!p0 $0x0  }
0x4d: {  	[sflag:s0] =	ssyncadd.s32 @!p0 s1  }
0x4e: {  	[bflag:$0x3] =	sbarrier.arrive $0xFFFF  }
0x4f: {  	_ =	shalt  }

// kernel: kernel.10.cloned.1.call-start
scs
__scs_entry_jumppad:
0x0: {  	(pc) =	sbr.rel $0x88, $3  }
0x1: {  	(tag) =	ssettag $0x0;
	lr =	simm.s32 $0x1  }
0x2: {  	[smem:$0x3F9B] =	sst lr;
	_ =	strace $0xD0000000  }
0x3: {  	_ = 	snop  }
0x4: {  	_ = 	snop  }
0x5: {  	_ = 	snop  }
0x6: {  	_ = 	snop  }
0x7: {  	_ = 	snop  }
__scs_overlays_trampoline_lowered:
0x8: {  	[smem:$0x3FAA] =	sst s0  }
0x9: {  	[smem:$0x3FAB] =	sst s1  }
0xa: {  	[smem:$0x3FAC] =	sst s2  }
0xb: {  	[smem:$0x3FAD] =	sst s3  }
0xc: {  	[smem:$0x3FAE] =	sst s4  }
0xd: {  	[smem:$0x3FAF] =	sst s5  }
0xe: {  	[smem:$0x3FB0] =	sst s6  }
0xf: {  	[smem:$0x3FB1] =	sst s7  }
0x10: {  	[smem:$0x3FB2] =	sst s8  }
0x11: {  	[smem:$0x3FB3] =	sst s9;
	s0 =	simm.s32 @!p0 $0x0  }
0x12: {  	s1 =	sld [smem:$0x3F99];
	s0 =	simm.s32 @p0 $0x1  }
0x13: {  	[smem:$0x3FB4] =	sst s0;
	s0 =	simm.s32 @!p1 $0x0  }
0x14: {  	s2 =	sld [smem:$0x3F98];
	s0 =	simm.s32 @p1 $0x1  }
0x15: {  	[smem:$0x3FB5] =	sst s0;
	s0 =	simm.s32 @!p2 $0x0  }
0x16: {  	s3 =	sld [smem:$0x3FDB];
	s0 =	simm.s32 @p2 $0x1  }
0x17: {  	s4 =	simm.s32 $0x1BF5;
	[smem:$0x3FB7] =	sst s0  }
0x18: {  	s0 =	sld [smem:$0x3F9A];
	_ =	swait.ge [sflag:s4], $0x0  }
0x19: {  	s7 =	sld [smem:$0x3F9B]  }
0x1a: {  	s8 =	sadd.s32 $0xFFFFE003, lr  }
0x1b: {  	s9 =	sadd.s32 $0xFFFFFEF7, lr;
	s5 =	simm.s32 $0xFFFFFFFF;
	p2 =	slt.u32 s8, $0xFFFFF086  }
0x1c: {  	p1 =	slt.u32 s9, $0xF7A;
	s5 =	simm.s32 @!p2 $0x0  }
0x1d: {  	s5 =	simm.s32 @p1 $0x1;
	p0 =	seq.s32 s7, s2  }
0x1e: {  	s7 =	smul.u32 @!p0 $0xF7A, s2;
	p2 =	seq.s32 @!p0 s5, $0x0  }
0x1f: {  	s9 =	smul.u32 $0xF7A, s1;
	s8 =	simm.s32 @!p0 $0x1BF5;
	p2 =	por !p2, p0  }
0x20: {  	[sflag:s8] =	ssyncset.s32 @!p0 $0xFFFFF086;
	s6 =	sadd.s32 @!p0 s3, s7;
	s7 =	simm.s32 @!p0 $0x108  }
0x21: {  	s3 =	sadd.s32 s3, s9;
	s6 =	sadd.s32 @!p0 $0x88, s6;
	s7 =	simm.s32 @p2 $0x1082  }
0x22: {  	[simem:s7], [sflag:s8] =	dma.local @!p0 [hbm:s6], $0xF7A  }
0x23: {  	s9 =	sor.u32 $0xD0000000, s2;
	s6 =	simm.s32 $0x108;
	_ =	swait.ge @!p0 [sflag:s8], $0x0  }
0x24: {  	s3 =	sadd.s32 $0x88, s3;
	s6 =	simm.s32 @!p1 $0x1082;
	[sflag:s4] =	ssyncset.s32 $0xFFFFF086  }
0x25: {  	[simem:s6], [sflag:s4] =	dma.local [hbm:s3], $0xF7A  }
0x26: {  	[smem:$0x3F9B] =	sst s1;
	(tag) =	ssettag s2;
	_ =	strace s9  }
0x27: {  	s1 =	sld [smem:$0x3FAB]  }
0x28: {  	s2 =	sld [smem:$0x3FAC]  }
0x29: {  	s4 =	sld [smem:$0x3FAE]  }
0x2a: {  	p0 =	seq.s32 s5, $0x0;
	s5 =	sld [smem:$0x3FAF]  }
0x2b: {  	s6 =	sld [smem:$0x3FB0]  }
0x2c: {  	s7 =	sld [smem:$0x3FB1]  }
0x2d: {  	s3 =	simm.s32 $0x108;
	s8 =	sld [smem:$0x3FB2]  }
0x2e: {  	s3 =	simm.s32 @!p0 $0x1082;
	s9 =	sld [smem:$0x3FB3]  }
0x2f: {  	lr =	sadd.s32 s0, s3;
	s0 =	sld [smem:$0x3FAA]  }
0x30: {  	s3 =	sld [smem:$0x3FAD]  }
0x31: {  	[smem:$0x3FB6] =	sst s10  }
0x32: {  	s10 =	sld [smem:$0x3FB4];
	_ =	sdelay $0x3  }
0x33: {  	p0 =	seq.s32 s10, $0x1;
	s10 =	sld [smem:$0x3FB6];
	_ =	sdelay $0x3  }
0x34: {  	[smem:$0x3FB6] =	sst s10  }
0x35: {  	s10 =	sld [smem:$0x3FB5];
	_ =	sdelay $0x3  }
0x36: {  	p1 =	seq.s32 s10, $0x1;
	s10 =	sld [smem:$0x3FB6];
	_ =	sdelay $0x3  }
0x37: {  	[smem:$0x3FB6] =	sst s10  }
0x38: {  	s10 =	sld [smem:$0x3FB7]  }
0x39: {  	_ = 	snop;
	(pc) =	sbr.ind lr, $3  }
0x3a: {  	_ = 	snop  }
0x3b: {  	_ = 	snop  }
0x3c: {  	p2 =	seq.s32 s10, $0x1;
	s10 =	sld [smem:$0x3FB6]  }
0x3d: {  	_ =	shalt  }
0x3e: {  	_ =	shalt  }
0x3f: {  	_ =	shalt  }
0x40: {  	_ =	shalt  }
0x41: {  	_ =	shalt  }
0x42: {  	_ =	shalt  }
0x43: {  	_ =	shalt  }
0x44: {  	_ =	shalt  }
0x45: {  	_ =	shalt  }
0x46: {  	_ =	shalt  }
0x47: {  	_ =	shalt  }
0x48: {  	_ =	shalt  }
0x49: {  	_ =	shalt  }
0x4a: {  	_ =	shalt  }
0x4b: {  	_ =	shalt  }
0x4c: {  	_ =	shalt  }
0x4d: {  	_ =	shalt  }
0x4e: {  	_ =	shalt  }
0x4f: {  	_ =	shalt  }
0x50: {  	_ =	shalt  }
0x51: {  	_ =	shalt  }
0x52: {  	_ =	shalt  }
0x53: {  	_ =	shalt  }
0x54: {  	_ =	shalt  }
0x55: {  	_ =	shalt  }
0x56: {  	_ =	shalt  }
0x57: {  	_ =	shalt  }
0x58: {  	_ =	shalt  }
0x59: {  	_ =	shalt  }
0x5a: {  	_ =	shalt  }
0x5b: {  	_ =	shalt  }
0x5c: {  	_ =	shalt  }
0x5d: {  	_ =	shalt  }
0x5e: {  	_ =	shalt  }
0x5f: {  	_ =	shalt  }
0x60: {  	_ =	shalt  }
0x61: {  	_ =	shalt  }
0x62: {  	_ =	shalt  }
0x63: {  	_ =	shalt  }
0x64: {  	_ =	shalt  }
0x65: {  	_ =	shalt  }
0x66: {  	_ =	shalt  }
0x67: {  	_ =	shalt  }
0x68: {  	_ =	shalt  }
0x69: {  	_ =	shalt  }
0x6a: {  	_ =	shalt  }
0x6b: {  	_ =	shalt  }
0x6c: {  	_ =	shalt  }
0x6d: {  	_ =	shalt  }
0x6e: {  	_ =	shalt  }
0x6f: {  	_ =	shalt  }
0x70: {  	_ =	shalt  }
0x71: {  	_ =	shalt  }
0x72: {  	_ =	shalt  }
0x73: {  	_ =	shalt  }
0x74: {  	_ =	shalt  }
0x75: {  	_ =	shalt  }
0x76: {  	_ =	shalt  }
0x77: {  	_ =	shalt  }
0x78: {  	_ =	shalt  }
0x79: {  	_ =	shalt  }
0x7a: {  	_ =	shalt  }
0x7b: {  	_ =	shalt  }
0x7c: {  	_ =	shalt  }
0x7d: {  	_ =	shalt  }
0x7e: {  	_ =	shalt  }
0x7f: {  	_ =	shalt  }
0x80: {  	_ =	shalt  }
0x81: {  	_ =	shalt  }
0x82: {  	_ =	shalt  }
0x83: {  	_ =	shalt  }
0x84: {  	_ =	shalt  }
0x85: {  	_ =	shalt  }
0x86: {  	_ =	shalt  }
0x87: {  	_ =	shalt  }
.Lfunc_end0:
.L_simem_size_0:
called_computation.6_lowered:
.L_overlay_start_0:
0x88: {  	s2 =	sld [smem:$0x3FD9]  }
0x89: {  	s3 =	sld [smem:$0x3FFE];
	_ =	sdelay $0x1  }
0x8a: {  	s1 =	srdreg.scid  }
0x8b: {  	s0 =	sand.u32 $0x1, s1  }
0x8c: {  	s17 =	sshll.u32 s0, $0xA;
	s2 =	sadd.s32 s3, s2  }
0x8d: {  	s2 =	sadd.s32 s2, s17  }
0x8e: {  	[smem:$0x3FC2] =	sst s2  }
0x8f: {  	_ = 	snop  }
0x90: {  	s2 =	sld [smem:$0x3FD0];
	(tm) =	ssettm $0x1  }
0x91: {  	s18 =	sld [smem:$0x3FFB];
	_ =	sdelay $0x3  }
0x92: {  	_ =	strace s18  }
0x93: {  	s3 =	sld [smem:$0x3FFC];
	_ =	sdelay $0x3  }
0x94: {  	_ =	strace s3  }
0x95: {  	s3 =	sld [smem:$0x3FFD];
	_ =	sdelay $0x3  }
0x96: {  	_ =	strace s3  }
0x97: {  	_ =	strace $0x8FFFFFFF  }
0x98: {  	s19 =	sld [smem:$0x3FDB];
	_ =	sdelay $0x1  }
0x99: {  	s4 =	simm.s32 $_scs_section_size  }
0x9a: {  	s5 =	simm.s32 $_size__tile_overlayer_lowered;
	s6 =	simm.s32 $_tile_overlayer_lowered  }
0x9b: {  	s22 =	simm.s32 $0x1BFF;
	s21 =	sshll.u32 s6, $0x1;
	s3 =	sadd.s32 s4, s19  }
0x9c: {  	s7 =	simm.s32 $0x0;
	s20 =	sshll.u32 s5, $0x1;
	s5 =	sadd.s32 s21, s3  }
0x9d: {  	[timem:s7], [sflag:s22] =	dma.local [hbm:s5], s20  }
0x9e: {  	_ =	swait.ge [sflag:s22], s20  }
0x9f: {  	s4 =	ssub.s32 $0x0, s20;
	[sflag:s22] =	ssyncset.done $0x0  }
0xa0: {  	[sflag:s22] =	ssyncadd.s32 s4;
	_ =	sdelay $0x1  }
0xa1: {  	s23 =	simm.s32 $0x1B8B  }
0xa2: {  	_ =	swait.ge [sflag:s23], $0x1  }
0xa3: {  	[sflag:s23] =	ssyncset.done $0x0  }
0xa4: {  	s25 =	simm.s32 $0x1B8E;
	s24 =	sld [smem:$0x3FFE];
	[sflag:s23] =	ssyncadd.s32 $0xFFFFFFFF  }
0xa5: {  	s26 =	simm.s32 $execute0_lowered;
	[smem:$0x3FD2] =	sst s25  }
0xa6: {  	s5 =	sshll.u32 s26, $0x1;
	_ =	strace $0x80000058;
	[dreg:$0x1] =	wrdreg $0xFFFFFFFF  }
0xa7: {  	s28 =	simm.s32 $_size_execute0_lowered;
	s3 =	sadd.s32 s3, s5;
	[dreg:$0x0] =	wrdreg $0x0  }
0xa8: {  	s5 =	sshll.u32 s28, $0x1;
	[dreg:$0x2] =	wrdreg s3  }
0xa9: {  	[dreg:$0x3] =	wrdreg s5  }
0xaa: {  	[dreg:$0x4] =	wrdreg $0xC0  }
0xab: {  	_ =	task [dreg:s7], $0x5FFFF  }
0xac: {  	[dreg:$0x1] =	wrdreg $0xFFFFFFFF  }
0xad: {  	[dreg:$0x0] =	wrdreg $0x60  }
0xae: {  	[dreg:$0x2] =	wrdreg s24  }
0xaf: {  	[dreg:$0x3] =	wrdreg s2  }
0xb0: {  	[dreg:$0x4] =	wrdreg $0xB4000  }
0xb1: {  	[dreg:$0x5] =	wrdreg $0x9  }
0xb2: {  	_ =	task.clear_ibuf [dreg:s7], $0x6FFFF;
	_ =	strace $0x90000058  }
0xb3: {  	s29 =	simm.s32 $0x9;
	_ =	strace $0x8000005A  }
0xb4: {  	_ =	swait.ge [sflag:s29], $0x1  }
0xb5: {  	[sflag:s29] =	ssyncadd.s32 $0xFFFFFFFF  }
0xb6: {  	_ =	strace $0x9000005A  }
0xb7: {  	_ =	sfence  }
0xb8: {  	s30 =	sld [smem:$0x0];
	_ =	sdelay $0x2  }
0xb9: {  	s31 =	sshll.u32 s1, $0xD;
	s1 =	sshrl.u32 s1, $0x2  }
0xba: {  	s3 =	sand.u32 $0x4000, s31;
	s1 =	sadd.s32 s1, s30  }
0xbb: {  	s0 =	sor.u32 s3, s0;
	s1 =	sshll.u32 s1, $0x11  }
0xbc: {  	s0 =	sor.u32 s1, s0  }
0xbd: {  	s0 =	sadd.s32 $0x8F2B, s0  }
0xbe: {  	[sflag:s0] =	ssyncadd.remote.s32 $0x1  }
0xbf: {  	_ =	sfence.sel $0xFFFF  }
0xc0: {  	[dreg:$0x0] =	wrdreg $0xFFFFFFFF;
	(pc) =	sbr.abs _section_cstart, $3  }
0xc1: {  	[dreg:$0x1] =	wrdreg $0xFFFFFFFF  }
0xc2: {  	_ =	task.clear_ibuf [dreg:s7], $0x2FFFF;
	_ =	strace $0x9FFFFFFF  }
0xc3: {  	(tm) =	ssettm $0x7FFFFFFF  }
tec
execute0_lowered:
.L_overlay_start_1:
0x0: {  	(tag) =	ssettag $0x1  }
0x1: {  	s5 =	rddreg [dreg:$0x0]  }
0x2: {  	s6 =	rddreg [dreg:$0x1]  }
0x3: {  	s2 =	rddreg [dreg:$0x2]  }
0x4: {  	s0 =	rddreg [dreg:$0x3];
	s1 =	stileid.u32;
	s3 =	simm.s32 $0x0  }
0x5: {  	s7 =	srdreg.scid;
	s14 =	simm.s32 $0x400;
	s15 =	simm.s32 $0x800  }
0x6: {  	s16 =	simm.s32 $0x3400;
	s17 =	simm.s32 $0x80;
	s4 =	smul.u32 $0x680, s1  }
0x7: {  	s18 =	simm.s32 $0x3;
	s19 =	simm.s32 $0x4;
	s8 =	smul.u32 $0x28000, s1  }
0x8: {  	s20 =	simm.s32 $0x8;
	s21 =	simm.s32 $0x100;
	s25 =	smul.u32 $0x50000, s1  }
0x9: {  	s22 =	simm.s32 $0x0;
	[smem:$0x7FF] =	sst s3;
	s13 =	smul.u32 $0x340000, s1  }
0xa: {  	s7 =	sand.u32 $0x1, s7;
	s28 =	smul.u32 $0x2800, s1;
	s31 =	sshll.u32 s1, $0x6  }
0xb: {  	_ =	strace $0x80000059;
	s10 =	sshll.u32 s7, $0xA;
	s7 =	ssub.s32 $0x2, s7  }
0xc: {  	s9 =	sadd.s32 s4, s5;
	s24 =	sor.u32 s10, s8;
	s12 =	sshrl.u32 s7, $0x1  }
0xd: {  	s4 =	sadd.s32 $0x867800, s5;
	s26 =	sshrl.u32 s25, $0x2;
	s10 =	sor.u32 s10, s13  }
.Ltmp0:
0xe: {  	s6 =	sadd.s32 s6, s28;
	s11 =	sshrl.u32 s24, $0x3;
	(pc) =	sbr.rel .LBB2_1-.Ltmp0, $4  }
0xf: {  	s12 =	ssub.s32 s7, s12;
	s29 =	sadd.s32 s26, s2;
	s30 =	sshrl.u32 s10, $0x3  }
0x10: {  	s10 =	sor.u32 $0x8000, s10;
	s11 =	sadd.s32 s11, s5;
	s5 =	sadd.s32 $0x2800, s9  }
0x11: {  	s7 =	sadd.s32 s4, s30;
	s9 =	smax.u32 s12, $0x1;
	s12 =	sor.u32 $0x1C05, s31  }
0x12: {  	s13 =	sshrl.u32 s29, $0x3;
	s8 =	sadd.s32 $0x9000, s11;
	s11 =	simm.s32 $0x5  }
.LBB2_4:
0x13: {  	s24 =	sadd.s32 $0x3, s26  }
0x14: {  	[spmem:s2] =	stream.indirect.scatter.add.f32 [tilespmem:s28], [sflag:s24], $0x80, s23, s17, $0xb8;
	[tilespmem:$0x1F400] =	vst v63  }
.LBB2_7:
0x15: {  	_ =	swait.ge [sflag:s18], $0x4000  }
0x16: {  	[sflag:s18] =	ssyncset.done $0x0  }
0x17: {  	[sflag:s18] =	ssyncadd.s32 $0xFFFFC000  }
0x18: {  	_ =	swait.ge [sflag:s19], $0x4000  }
0x19: {  	s22 =	sadd.s32 $0x1, s22;
	[sflag:s19] =	ssyncset.done $0x0  }
0x1a: {  	p0 =	sne.s32 s22, s9;
	[sflag:s19] =	ssyncadd.s32 $0xFFFFC000  }
.Ltmp1:
0x1b: {  	[bflag:$0x0] =	sbarrier.arrive $0xFFFF;
	(pc) =	sbr.rel @!p0 .LBB2_8-.Ltmp1, $4  }
0x1c: {  	[hbm:s8@s21], [sflag:s12] =	dma.strided [spmem:s13@s17], $0x2800, s20, $0x10   }
0x1d: {  	_ =	swait.ge [sflag:s11], $0x2800  }
0x1e: {  	[sflag:s11] =	ssyncset.done $0x0  }
0x1f: {  	[sflag:s11] =	ssyncadd.s32 $0xFFFFD800  }
.LBB2_1:
0x20: {  	[tilespmem:s3], [sflag:$0x5] =	stream.linear.gather [hbm4b:s5+s3], $0x3400, $0x38;
	[tilespmem:$0x1F400] =	vst v63  }
0x21: {  	_ =	swait.ge [sflag:s11], $0x3400  }
0x22: {  	[sflag:s11] =	ssyncset.done $0x0  }
0x23: {  	[sflag:s11] =	ssyncadd.s32 $0xFFFFCC00  }
0x24: {  	[spmem:s13], [sflag:s12] =	dma.local [hbm:s6], $0x2800  }
.Ltmp2:
0x25: {  	_ =	swait.ge [sflag:s11], $0x2800;
	(pc) =	sbr.rel .LBB2_2-.Ltmp2, $4  }
0x26: {  	[sflag:s11] =	ssyncset.done $0x0  }
0x27: {  	s24 =	simm.s32 $0x1;
	[sflag:s11] =	ssyncadd.s32 $0xFFFFD800  }
0x28: {  	s25 =	smov.u32 s10;
	s23 =	simm.s32 $0x0;
	[bflag:$0x0] =	sbarrier.arrive $0xFFFF  }
0x29: {  	[tilespmem:s16], [sflag:$0x1] =	stream.strided.gather [hbm4b:s7+s14], $0x4000, s15, s14, $0x38;
	[tilespmem:$0x1F400] =	vst v63  }
.LBB2_6:
0x2a: {  	s30 =	sshll.u32 s29, $0xE;
	s24 =	sadd.s32 $0x1, s24  }
0x2b: {  	s31 =	sshrl.u32 s25, $0x3;
	s29 =	sadd.s32 $0x1, s29;
	p0 =	sne.s32 s24, $0x69  }
.Ltmp3:
0x2c: {  	s30 =	sor.u32 $0x3400, s30;
	s31 =	sadd.s32 s4, s31;
	(pc) =	sbr.rel @!p0 .LBB2_7-.Ltmp3, $4  }
0x2d: {  	[tilespmem:s30], [sflag:s29] =	stream.strided.gather [hbm4b:s31+s14], $0x4000, s15, s14, $0x38;
	[tilespmem:$0x1F400] =	vst v63  }
0x2e: {  	s26 =	sadd.s32 $0x3, s26  }
0x2f: {  	[spmem:s2] =	stream.indirect.scatter.add.f32 [tilespmem:s28], [sflag:s26], $0x80, s23, s17, $0xb8;
	[tilespmem:$0x1F400] =	vst v63  }
0x30: {  	s25 =	sadd.s32 $0x8000, s25;
	s23 =	sadd.s32 $0x80, s23  }
.LBB2_2:
0x31: {  	s30 =	sadd.s32 $0xFFFFFFFF, s24  }
0x32: {  	p0 =	seq.s32 s30, $0x0  }
.Ltmp4:
0x33: {  	s26 =	sand.u32 $0x1, s30;
	(pc) =	sbr.rel @p0 .LBB2_6-.Ltmp4, $4  }
0x34: {  	s31 =	sadd.s32 $0x1, s26  }
0x35: {  	_ =	swait.ge [sflag:s31], $0x4000  }
0x36: {  	s28 =	sshll.u32 s26, $0xE;
	[sflag:s31] =	ssyncset.done $0x0  }
0x37: {  	s29 =	sand.u32 $0x1, s24;
	s28 =	sor.u32 $0x3400, s28;
	[sflag:s31] =	ssyncadd.s32 $0xFFFFC000  }
0x38: {  	p0 =	sne.s32 s30, $0x67  }
.Ltmp5:
0x39: {  	_ = 	snop;
	(pc) =	sbr.rel @!p0 .LBB2_4-.Ltmp5, $1  }
0x3a: {  	_ =	sdelay $0x3  }
.Ltmp6:
0x3b: {  	(pc) =	sbr.rel .LBB2_6-.Ltmp6, $4  }
0x3c: {  	s30 =	sadd.s32 $0x3, s29  }
0x3d: {  	_ =	swait.ge [sflag:s30], $0x4000  }
0x3e: {  	[sflag:s30] =	ssyncset.done $0x0  }
0x3f: {  	[sflag:s30] =	ssyncadd.s32 $0xFFFFC000  }
.LBB2_8:
0x40: {  	_ =	sfence.sel $0x180000  }
0x41: {  	[bflag:$0x0] =	sbarrier.arrive $0xFFFF  }
0x42: {  	p0 =	sne.s32 s1, $0x0;
	_ =	strace $0x90000059  }
0x43: {  	s0 =	sadd.s32 @!p0 $0x100000, s0;
	[bflag:$0x2] =	sbarrier.arrive $0xFFFF  }
0x44: {  	[sflag:s0] =	ssyncadd.tile.s32 @!p0 $0x1;
	_ =	shalt  }
.Lfunc_end2:
_tile_overlayer_lowered:
.L_overlay_start_2:
0x45: {  	(tag) =	ssettag $0x2  }
0x46: {  	s0 =	rddreg [dreg:$0x0];
	s2 =	stileid.u32  }
0x47: {  	s1 =	rddreg [dreg:$0x1];
	p0 =	sne.s32 s2, $0x0  }
0x48: {  	s3 =	rddreg [dreg:$0x2];
	[bflag:$0x3] =	sbarrier.arrive $0xFFFF;
	s2 =	simm.s32 @!p0 $0x1C05  }
0x49: {  	[timem:s3], [sflag:s2] =	dma.local @!p0 [hbm:s0], s1  }
0x4a: {  	s0 =	simm.s32 @!p0 $0x5  }
0x4b: {  	_ =	swait.ge @!p0 [sflag:s0], s1  }
0x4c: {  	s1 =	ssub.s32 @!p0 $0x0, s1;
	[sflag:s0] =	ssyncset.done @!p0 $0x0  }
0x4d: {  	[sflag:s0] =	ssyncadd.s32 @!p0 s1  }
0x4e: {  	[bflag:$0x3] =	sbarrier.arrive $0xFFFF  }
0x4f: {  	_ =	shalt  }

// kernel: kernel.7.cloned.1.call-start
scs
__scs_entry_jumppad:
0x0: {  	(pc) =	sbr.rel $0x88, $3  }
0x1: {  	(tag) =	ssettag $0x0;
	lr =	simm.s32 $0x1  }
0x2: {  	[smem:$0x3F9B] =	sst lr;
	_ =	strace $0xD0000000  }
0x3: {  	_ = 	snop  }
0x4: {  	_ = 	snop  }
0x5: {  	_ = 	snop  }
0x6: {  	_ = 	snop  }
0x7: {  	_ = 	snop  }
__scs_overlays_trampoline_lowered:
0x8: {  	[smem:$0x3FAA] =	sst s0  }
0x9: {  	[smem:$0x3FAB] =	sst s1  }
0xa: {  	[smem:$0x3FAC] =	sst s2  }
0xb: {  	[smem:$0x3FAD] =	sst s3  }
0xc: {  	[smem:$0x3FAE] =	sst s4  }
0xd: {  	[smem:$0x3FAF] =	sst s5  }
0xe: {  	[smem:$0x3FB0] =	sst s6  }
0xf: {  	[smem:$0x3FB1] =	sst s7  }
0x10: {  	[smem:$0x3FB2] =	sst s8  }
0x11: {  	[smem:$0x3FB3] =	sst s9;
	s0 =	simm.s32 @!p0 $0x0  }
0x12: {  	s1 =	sld [smem:$0x3F99];
	s0 =	simm.s32 @p0 $0x1  }
0x13: {  	[smem:$0x3FB4] =	sst s0;
	s0 =	simm.s32 @!p1 $0x0  }
0x14: {  	s2 =	sld [smem:$0x3F98];
	s0 =	simm.s32 @p1 $0x1  }
0x15: {  	[smem:$0x3FB5] =	sst s0;
	s0 =	simm.s32 @!p2 $0x0  }
0x16: {  	s3 =	sld [smem:$0x3FDB];
	s0 =	simm.s32 @p2 $0x1  }
0x17: {  	s4 =	simm.s32 $0x1BF5;
	[smem:$0x3FB7] =	sst s0  }
0x18: {  	s0 =	sld [smem:$0x3F9A];
	_ =	swait.ge [sflag:s4], $0x0  }
0x19: {  	s7 =	sld [smem:$0x3F9B]  }
0x1a: {  	s8 =	sadd.s32 $0xFFFFE003, lr  }
0x1b: {  	s9 =	sadd.s32 $0xFFFFFEF7, lr;
	s5 =	simm.s32 $0xFFFFFFFF;
	p2 =	slt.u32 s8, $0xFFFFF086  }
0x1c: {  	p1 =	slt.u32 s9, $0xF7A;
	s5 =	simm.s32 @!p2 $0x0  }
0x1d: {  	s5 =	simm.s32 @p1 $0x1;
	p0 =	seq.s32 s7, s2  }
0x1e: {  	s7 =	smul.u32 @!p0 $0xF7A, s2;
	p2 =	seq.s32 @!p0 s5, $0x0  }
0x1f: {  	s9 =	smul.u32 $0xF7A, s1;
	s8 =	simm.s32 @!p0 $0x1BF5;
	p2 =	por !p2, p0  }
0x20: {  	[sflag:s8] =	ssyncset.s32 @!p0 $0xFFFFF086;
	s6 =	sadd.s32 @!p0 s3, s7;
	s7 =	simm.s32 @!p0 $0x108  }
0x21: {  	s3 =	sadd.s32 s3, s9;
	s6 =	sadd.s32 @!p0 $0x88, s6;
	s7 =	simm.s32 @p2 $0x1082  }
0x22: {  	[simem:s7], [sflag:s8] =	dma.local @!p0 [hbm:s6], $0xF7A  }
0x23: {  	s9 =	sor.u32 $0xD0000000, s2;
	s6 =	simm.s32 $0x108;
	_ =	swait.ge @!p0 [sflag:s8], $0x0  }
0x24: {  	s3 =	sadd.s32 $0x88, s3;
	s6 =	simm.s32 @!p1 $0x1082;
	[sflag:s4] =	ssyncset.s32 $0xFFFFF086  }
0x25: {  	[simem:s6], [sflag:s4] =	dma.local [hbm:s3], $0xF7A  }
0x26: {  	[smem:$0x3F9B] =	sst s1;
	(tag) =	ssettag s2;
	_ =	strace s9  }
0x27: {  	s1 =	sld [smem:$0x3FAB]  }
0x28: {  	s2 =	sld [smem:$0x3FAC]  }
0x29: {  	s4 =	sld [smem:$0x3FAE]  }
0x2a: {  	p0 =	seq.s32 s5, $0x0;
	s5 =	sld [smem:$0x3FAF]  }
0x2b: {  	s6 =	sld [smem:$0x3FB0]  }
0x2c: {  	s7 =	sld [smem:$0x3FB1]  }
0x2d: {  	s3 =	simm.s32 $0x108;
	s8 =	sld [smem:$0x3FB2]  }
0x2e: {  	s3 =	simm.s32 @!p0 $0x1082;
	s9 =	sld [smem:$0x3FB3]  }
0x2f: {  	lr =	sadd.s32 s0, s3;
	s0 =	sld [smem:$0x3FAA]  }
0x30: {  	s3 =	sld [smem:$0x3FAD]  }
0x31: {  	[smem:$0x3FB6] =	sst s10  }
0x32: {  	s10 =	sld [smem:$0x3FB4];
	_ =	sdelay $0x3  }
0x33: {  	p0 =	seq.s32 s10, $0x1;
	s10 =	sld [smem:$0x3FB6];
	_ =	sdelay $0x3  }
0x34: {  	[smem:$0x3FB6] =	sst s10  }
0x35: {  	s10 =	sld [smem:$0x3FB5];
	_ =	sdelay $0x3  }
0x36: {  	p1 =	seq.s32 s10, $0x1;
	s10 =	sld [smem:$0x3FB6];
	_ =	sdelay $0x3  }
0x37: {  	[smem:$0x3FB6] =	sst s10  }
0x38: {  	s10 =	sld [smem:$0x3FB7]  }
0x39: {  	_ = 	snop;
	(pc) =	sbr.ind lr, $3  }
0x3a: {  	_ = 	snop  }
0x3b: {  	_ = 	snop  }
0x3c: {  	p2 =	seq.s32 s10, $0x1;
	s10 =	sld [smem:$0x3FB6]  }
0x3d: {  	_ =	shalt  }
0x3e: {  	_ =	shalt  }
0x3f: {  	_ =	shalt  }
0x40: {  	_ =	shalt  }
0x41: {  	_ =	shalt  }
0x42: {  	_ =	shalt  }
0x43: {  	_ =	shalt  }
0x44: {  	_ =	shalt  }
0x45: {  	_ =	shalt  }
0x46: {  	_ =	shalt  }
0x47: {  	_ =	shalt  }
0x48: {  	_ =	shalt  }
0x49: {  	_ =	shalt  }
0x4a: {  	_ =	shalt  }
0x4b: {  	_ =	shalt  }
0x4c: {  	_ =	shalt  }
0x4d: {  	_ =	shalt  }
0x4e: {  	_ =	shalt  }
0x4f: {  	_ =	shalt  }
0x50: {  	_ =	shalt  }
0x51: {  	_ =	shalt  }
0x52: {  	_ =	shalt  }
0x53: {  	_ =	shalt  }
0x54: {  	_ =	shalt  }
0x55: {  	_ =	shalt  }
0x56: {  	_ =	shalt  }
0x57: {  	_ =	shalt  }
0x58: {  	_ =	shalt  }
0x59: {  	_ =	shalt  }
0x5a: {  	_ =	shalt  }
0x5b: {  	_ =	shalt  }
0x5c: {  	_ =	shalt  }
0x5d: {  	_ =	shalt  }
0x5e: {  	_ =	shalt  }
0x5f: {  	_ =	shalt  }
0x60: {  	_ =	shalt  }
0x61: {  	_ =	shalt  }
0x62: {  	_ =	shalt  }
0x63: {  	_ =	shalt  }
0x64: {  	_ =	shalt  }
0x65: {  	_ =	shalt  }
0x66: {  	_ =	shalt  }
0x67: {  	_ =	shalt  }
0x68: {  	_ =	shalt  }
0x69: {  	_ =	shalt  }
0x6a: {  	_ =	shalt  }
0x6b: {  	_ =	shalt  }
0x6c: {  	_ =	shalt  }
0x6d: {  	_ =	shalt  }
0x6e: {  	_ =	shalt  }
0x6f: {  	_ =	shalt  }
0x70: {  	_ =	shalt  }
0x71: {  	_ =	shalt  }
0x72: {  	_ =	shalt  }
0x73: {  	_ =	shalt  }
0x74: {  	_ =	shalt  }
0x75: {  	_ =	shalt  }
0x76: {  	_ =	shalt  }
0x77: {  	_ =	shalt  }
0x78: {  	_ =	shalt  }
0x79: {  	_ =	shalt  }
0x7a: {  	_ =	shalt  }
0x7b: {  	_ =	shalt  }
0x7c: {  	_ =	shalt  }
0x7d: {  	_ =	shalt  }
0x7e: {  	_ =	shalt  }
0x7f: {  	_ =	shalt  }
0x80: {  	_ =	shalt  }
0x81: {  	_ =	shalt  }
0x82: {  	_ =	shalt  }
0x83: {  	_ =	shalt  }
0x84: {  	_ =	shalt  }
0x85: {  	_ =	shalt  }
0x86: {  	_ =	shalt  }
0x87: {  	_ =	shalt  }
.Lfunc_end0:
.L_simem_size_0:
called_computation.5_lowered:
.L_overlay_start_0:
0x88: {  	s2 =	sld [smem:$0x3FD9]  }
0x89: {  	s3 =	sld [smem:$0x3FFE];
	_ =	sdelay $0x1  }
0x8a: {  	s1 =	srdreg.scid  }
0x8b: {  	s0 =	sand.u32 $0x1, s1  }
0x8c: {  	s17 =	sshll.u32 s0, $0xA;
	s2 =	sadd.s32 s3, s2  }
0x8d: {  	s2 =	sadd.s32 s2, s17  }
0x8e: {  	[smem:$0x3FC2] =	sst s2  }
0x8f: {  	_ = 	snop  }
0x90: {  	s18 =	sld [smem:$0x3FC9];
	(tm) =	ssettm $0x1  }
0x91: {  	s19 =	sld [smem:$0x3FFB];
	_ =	sdelay $0x3  }
0x92: {  	_ =	strace s19  }
0x93: {  	s2 =	sld [smem:$0x3FFC];
	_ =	sdelay $0x3  }
0x94: {  	_ =	strace s2  }
0x95: {  	s2 =	sld [smem:$0x3FFD];
	_ =	sdelay $0x3  }
0x96: {  	_ =	strace s2  }
0x97: {  	_ =	strace $0x8FFFFFFF  }
0x98: {  	s20 =	sld [smem:$0x3FDB];
	_ =	sdelay $0x1  }
0x99: {  	s4 =	simm.s32 $_scs_section_size  }
0x9a: {  	s5 =	simm.s32 $_size__tile_overlayer_lowered;
	s6 =	simm.s32 $_tile_overlayer_lowered  }
0x9b: {  	s7 =	simm.s32 $0x1BFF;
	s21 =	sshll.u32 s6, $0x1;
	s4 =	sadd.s32 s4, s20  }
0x9c: {  	s22 =	simm.s32 $0x0;
	s5 =	sshll.u32 s5, $0x1;
	s6 =	sadd.s32 s21, s4  }
0x9d: {  	[timem:s22], [sflag:s7] =	dma.local [hbm:s6], s5  }
0x9e: {  	_ =	swait.ge [sflag:s7], s5  }
0x9f: {  	s5 =	ssub.s32 $0x0, s5;
	[sflag:s7] =	ssyncset.done $0x0  }
0xa0: {  	[sflag:s7] =	ssyncadd.s32 s5;
	_ =	sdelay $0x1  }
0xa1: {  	s23 =	simm.s32 $0x1B8B  }
0xa2: {  	_ =	swait.ge [sflag:s23], $0x1  }
0xa3: {  	[sflag:s23] =	ssyncset.done $0x0  }
0xa4: {  	[sflag:s23] =	ssyncadd.s32 $0xFFFFFFFF  }
0xa5: {  	s5 =	sld [smem:$0x0]  }
0xa6: {  	s6 =	sand.u32 $0xFFFFFFFE, s1  }
0xa7: {  	p0 =	sne.s32 s1, s6  }
0xa8: {  	s6 =	sshll.u32 @p0 s6, $0xE  }
0xa9: {  	s6 =	sadd.s32 @p0 $0x11B8D, s6;
	s7 =	sshll.u32 @p0 s5, $0x11  }
0xaa: {  	s6 =	sor.u32 @p0 s7, s6  }
0xab: {  	[sflag:s6] =	ssyncadd.remote.s32 @p0 $0x1;
	_ =	sdelay $0x1  }
0xac: {  	s6 =	simm.s32 @p0 $0x1B8D  }
0xad: {  	_ =	swait.eq @p0 [sflag:s6], $0x1  }
0xae: {  	[sflag:s6] =	ssyncadd.s32 @p0 $0xFFFFFFFF  }
0xaf: {  	s7 =	sshll.u32 @!p0 s1, $0xE  }
0xb0: {  	s7 =	sor.u32 @!p0 $0x4000, s7;
	s6 =	simm.s32 @!p0 $0x1B8D  }
0xb1: {  	s5 =	sshll.u32 @!p0 s5, $0x11;
	s7 =	sadd.s32 @!p0 $0x11B8D, s7;
	_ =	swait.eq @!p0 [sflag:s6], $0x1  }
0xb2: {  	s5 =	sor.u32 @!p0 s5, s7;
	[sflag:s6] =	ssyncadd.s32 @!p0 $0xFFFFFFFF  }
0xb3: {  	s25 =	simm.s32 $0x1B8E;
	s24 =	sld [smem:$0x3FFE];
	[sflag:s5] =	ssyncadd.remote.s32 @!p0 $0x1  }
0xb4: {  	s26 =	simm.s32 $execute0_lowered;
	[smem:$0x3FD2] =	sst s25  }
0xb5: {  	s6 =	sshll.u32 s26, $0x1;
	_ =	strace $0x80000055;
	[dreg:$0x1] =	wrdreg $0xFFFFFFFF  }
0xb6: {  	s28 =	simm.s32 $_size_execute0_lowered;
	s4 =	sadd.s32 s4, s6;
	[dreg:$0x0] =	wrdreg $0x0  }
0xb7: {  	s6 =	sshll.u32 s28, $0x1;
	[dreg:$0x2] =	wrdreg s4  }
0xb8: {  	[dreg:$0x3] =	wrdreg s6  }
0xb9: {  	[dreg:$0x4] =	wrdreg $0xC0  }
0xba: {  	_ =	task [dreg:s22], $0x5FFFF  }
0xbb: {  	[dreg:$0x1] =	wrdreg $0xFFFFFFFF  }
0xbc: {  	[dreg:$0x0] =	wrdreg $0x60  }
0xbd: {  	[dreg:$0x2] =	wrdreg s24  }
0xbe: {  	[dreg:$0x3] =	wrdreg s18  }
0xbf: {  	[dreg:$0x4] =	wrdreg $0xB4000  }
0xc0: {  	[dreg:$0x5] =	wrdreg $0xA  }
0xc1: {  	_ =	task.clear_ibuf [dreg:s22], $0x6FFFF;
	_ =	strace $0x90000055  }
0xc2: {  	s29 =	simm.s32 $0xA;
	_ =	strace $0x80000057  }
0xc3: {  	_ =	swait.ge [sflag:s29], $0x1  }
0xc4: {  	[sflag:s29] =	ssyncadd.s32 $0xFFFFFFFF  }
0xc5: {  	_ =	strace $0x90000057  }
0xc6: {  	_ =	sfence  }
0xc7: {  	s30 =	sld [smem:$0x0];
	_ =	sdelay $0x2  }
0xc8: {  	s31 =	sshll.u32 s1, $0xD;
	s1 =	sshrl.u32 s1, $0x2  }
0xc9: {  	s4 =	sand.u32 $0x4000, s31;
	s1 =	sadd.s32 s1, s30  }
0xca: {  	s0 =	sor.u32 s4, s0;
	s1 =	sshll.u32 s1, $0x11  }
0xcb: {  	s0 =	sor.u32 s1, s0  }
0xcc: {  	s0 =	sadd.s32 $0x8F2B, s0  }
0xcd: {  	[sflag:s0] =	ssyncadd.remote.s32 $0x1  }
0xce: {  	_ =	sfence.sel $0xFFFF  }
0xcf: {  	[dreg:$0x0] =	wrdreg $0xFFFFFFFF;
	(pc) =	sbr.abs _section_cstart, $3  }
0xd0: {  	[dreg:$0x1] =	wrdreg $0xFFFFFFFF  }
0xd1: {  	_ =	task.clear_ibuf [dreg:s22], $0x2FFFF;
	_ =	strace $0x9FFFFFFF  }
0xd2: {  	(tm) =	ssettm $0x7FFFFFFF  }
0xd3: {  	_ =	shalt  }
tec
execute0_lowered:
.L_overlay_start_1:
0x0: {  	(tag) =	ssettag $0x1  }
0x1: {  	s3 =	rddreg [dreg:$0x0]  }
0x2: {  	s5 =	rddreg [dreg:$0x1]  }
0x3: {  	s1 =	rddreg [dreg:$0x2];
	s0 =	simm.s32 $0x0  }
0x4: {  	s11 =	stileid.u32;
	s6 =	srdreg.scid;
	s15 =	simm.s32 $0x3  }
0x5: {  	s17 =	simm.s32 $0x3400;
	s18 =	simm.s32 $0x400;
	s19 =	simm.s32 $0x800  }
0x6: {  	s20 =	simm.s32 $0x7400;
	s21 =	simm.s32 $0x1;
	s4 =	smul.u32 $0x680, s11  }
0x7: {  	s22 =	simm.s32 $0x2;
	s23 =	simm.s32 $0x0;
	s7 =	smul.u32 $0x27000, s11  }
0x8: {  	[smem:$0x7FF] =	sst s0;
	s6 =	sand.u32 $0x1, s6;
	s9 =	smul.u32 $0x4E000, s11  }
0x9: {  	s10 =	sadd.s32 $0x1F800, s3;
	s29 =	smul.u32 $0x340000, s11;
	s30 =	sshll.u32 s11, $0x6  }
0xa: {  	s16 =	sadd.s32 $0x138000, s1;
	p0 =	sne.s32 s11, $0x0;
	_ =	strace $0x80000056  }
0xb: {  	s24 =	ssub.s32 $0x2, s6;
	s12 =	sshll.u32 s6, $0xA;
	s6 =	sshll.u32 s6, $0x7  }
0xc: {  	s16 =	sshrl.u32 @!p0 s16, $0x3;
	s8 =	sadd.s32 s4, s3;
	s25 =	sshrl.u32 s24, $0x1  }
0xd: {  	s26 =	sor.u32 s12, s7;
	s28 =	sshrl.u32 s9, $0x2;
	s4 =	sor.u32 $0x1C03, s30  }
0xe: {  	s31 =	sor.u32 s12, s29;
	s13 =	ssub.s32 s24, s25;
	s14 =	sadd.s32 s28, s1  }
0xf: {  	s3 =	sshrl.u32 s26, $0x3;
	s7 =	sshrl.u32 s31, $0x3;
	s12 =	sor.u32 $0x10000, s31  }
0x10: {  	s3 =	sadd.s32 s5, s3;
	s5 =	sadd.s32 s6, s5;
	s6 =	sadd.s32 $0x12800, s8  }
0x11: {  	s7 =	sadd.s32 s10, s7;
	s8 =	smax.u32 s13, $0x1;
	s12 =	sshrl.u32 s12, $0x3  }
0x12: {  	s11 =	sshrl.u32 s14, $0x3;
	s13 =	simm.s32 $0x80;
	s14 =	simm.s32 $0x100  }
0x13: {  	s5 =	sadd.s32 $0x4E000, s5;
	s9 =	sadd.s32 $0x1000, s7;
	s10 =	sadd.s32 s12, s10  }
.LBB2_1:
0x14: {  	s0 =	simm.s32 $0x8  }
0x15: {  	[spmem:s11@s13], [sflag:s4] =	dma.strided [hbm:s3@s14], $0x2700, s0, $0x10   }
0x16: {  	_ =	swait.ge [sflag:s15], $0x2700  }
0x17: {  	s24 =	simm.s32 @!p0 $0x8;
	[sflag:s15] =	ssyncset.done $0x0  }
0x18: {  	s25 =	simm.s32 @!p0 $0x80;
	s26 =	simm.s32 @!p0 $0x100;
	[sflag:s15] =	ssyncadd.s32 $0xFFFFD900  }
0x19: {  	[spmem:s16@s25], [sflag:s4] =	dma.strided @!p0 [hbm:s5@s26], $0x100, s24, $0x10   }
0x1a: {  	s24 =	simm.s32 @!p0 $0x3  }
0x1b: {  	_ =	swait.ge @!p0 [sflag:s24], $0x100  }
0x1c: {  	[sflag:s24] =	ssyncset.done @!p0 $0x0  }
0x1d: {  	s25 =	simm.s32 $0x0;
	[sflag:s24] =	ssyncadd.s32 @!p0 $0xFFFFFF00  }
0x1e: {  	[tilespmem:s25], [sflag:$0x3] =	stream.linear.gather [hbm4b:s6+s25], $0x3400, $0x38;
	[tilespmem:$0x1EC80] =	vst v63  }
0x1f: {  	_ =	swait.ge [sflag:s15], $0x3400  }
0x20: {  	[sflag:s15] =	ssyncset.done $0x0  }
0x21: {  	[sflag:s15] =	ssyncadd.s32 $0xFFFFCC00  }
0x22: {  	[bflag:$0x0] =	sbarrier.arrive $0xFFFF  }
0x23: {  	[tilespmem:s17], [sflag:$0x3] =	stream.indirect.gather [spmem:s1], $0x80, s25, s13, $0xb8;
	[tilespmem:$0x1EC80] =	vst v63  }
0x24: {  	_ =	swait.ge [sflag:s15], $0x4000  }
0x25: {  	[sflag:s15] =	ssyncset.done $0x0  }
0x26: {  	[sflag:s15] =	ssyncadd.s32 $0xFFFFC000  }
0x27: {  	[hbm4b:s7+s18] =	stream.strided.scatter [tilespmem:s17], [sflag:$0x1], $0x4000, s19, s18, $0x38;
	[tilespmem:$0x1EC80] =	vst v63  }
0x28: {  	_ = 	snop  }
0x29: {  	[tilespmem:s20], [sflag:$0x3] =	stream.indirect.gather [spmem:s1], $0x80, s13, s13, $0xb8;
	[tilespmem:$0x1EC80] =	vst v63  }
0x2a: {  	_ =	swait.ge [sflag:s15], $0x4000  }
0x2b: {  	s26 =	sand.u32 $0x1, s22;
	[sflag:s15] =	ssyncset.done $0x0  }
0x2c: {  	s25 =	sadd.s32 $0x1, s26;
	[sflag:s15] =	ssyncadd.s32 $0xFFFFC000  }
0x2d: {  	[hbm4b:s9+s18] =	stream.strided.scatter [tilespmem:s20], [sflag:$0x2], $0x4000, s19, s18, $0x38;
	[tilespmem:$0x1EC80] =	vst v63  }
0x2e: {  	_ =	swait.ge [sflag:s25], $0x4000  }
0x2f: {  	s29 =	simm.s32 $0x3;
	s24 =	sshll.u32 s26, $0xE;
	[sflag:s25] =	ssyncset.done $0x0  }
0x30: {  	s31 =	simm.s32 $0x4;
	s28 =	sor.u32 $0x3400, s24;
	[sflag:s25] =	ssyncadd.s32 $0xFFFFC000  }
0x31: {  	[tilespmem:s28], [sflag:$0x3] =	stream.indirect.gather [spmem:s1], $0x80, s14, s13, $0xb8;
	[tilespmem:$0x1EC80] =	vst v63  }
0x32: {  	s30 =	smov.u32 s10;
	s29 =	sand.u32 $0x1, s29;
	_ =	swait.ge [sflag:s15], $0x4000  }
0x33: {  	s24 =	sadd.s32 $0x1000, s10;
	s26 =	simm.s32 $0x180;
	[sflag:s15] =	ssyncset.done $0x0  }
.LBB2_2:
0x34: {  	s0 =	sadd.s32 $0x1, s29  }
0x35: {  	[sflag:s15] =	ssyncadd.s32 $0xFFFFC000;
	s12 =	smov.u32 s31;
	s2 =	sadd.s32 $0x1, s31  }
0x36: {  	[hbm4b:s30+s18] =	stream.strided.scatter [tilespmem:s28], [sflag:s25], $0x4000, s19, s18, $0x38;
	[tilespmem:$0x1EC80] =	vst v63  }
0x37: {  	p1 =	sne.s32 s31, $0x67;
	s25 =	smov.u32 s0;
	_ =	swait.ge [sflag:s0], $0x4000  }
.Ltmp0:
0x38: {  	s0 =	sshll.u32 s29, $0xE;
	[sflag:s25] =	ssyncset.done $0x0;
	(pc) =	sbr.rel @p1 .LBB2_2-.Ltmp0, $4  }
0x39: {  	s30 =	smov.u32 s24;
	s28 =	sor.u32 $0x3400, s0;
	[sflag:s25] =	ssyncadd.s32 $0xFFFFC000  }
0x3a: {  	[tilespmem:s28], [sflag:$0x3] =	stream.indirect.gather [spmem:s1], $0x80, s26, s13, $0xb8;
	[tilespmem:$0x1EC80] =	vst v63  }
0x3b: {  	s24 =	sadd.s32 $0x1000, s24;
	s26 =	sadd.s32 $0x80, s26;
	_ =	swait.ge [sflag:s15], $0x4000  }
0x3c: {  	s31 =	smov.u32 s2;
	s29 =	sand.u32 $0x1, s12;
	[sflag:s15] =	ssyncset.done $0x0  }
0x3d: {  	s0 =	sadd.s32 $0x1, s29;
	[sflag:s15] =	ssyncadd.s32 $0xFFFFC000  }
0x3e: {  	[hbm4b:s30+s18] =	stream.strided.scatter [tilespmem:s28], [sflag:s25], $0x4000, s19, s18, $0x38;
	[tilespmem:$0x1EC80] =	vst v63  }
0x3f: {  	_ =	swait.ge [sflag:s0], $0x4000  }
0x40: {  	s2 =	sshll.u32 s29, $0xE;
	[sflag:s0] =	ssyncset.done $0x0  }
0x41: {  	s2 =	sor.u32 $0x3400, s2;
	[sflag:s0] =	ssyncadd.s32 $0xFFFFC000  }
0x42: {  	[tilespmem:s2], [sflag:$0x3] =	stream.indirect.gather [spmem:s1], $0x80, s26, s13, $0xb8;
	[tilespmem:$0x1EC80] =	vst v63  }
0x43: {  	_ =	swait.ge [sflag:s15], $0x4000  }
0x44: {  	[sflag:s15] =	ssyncset.done $0x0  }
0x45: {  	s23 =	sadd.s32 $0x1, s23;
	[sflag:s15] =	ssyncadd.s32 $0xFFFFC000  }
0x46: {  	[hbm4b:s24+s18] =	stream.strided.scatter [tilespmem:s2], [sflag:s0], $0x4000, s19, s18, $0x38;
	[tilespmem:$0x1EC80] =	vst v63  }
0x47: {  	p1 =	sne.s32 s23, s8;
	_ =	swait.ge [sflag:s21], $0x4000  }
.Ltmp1:
0x48: {  	[sflag:s21] =	ssyncset.done $0x0;
	(pc) =	sbr.rel @p1 .LBB2_1-.Ltmp1, $4  }
0x49: {  	[sflag:s21] =	ssyncadd.s32 $0xFFFFC000  }
0x4a: {  	_ =	swait.ge [sflag:s22], $0x4000  }
0x4b: {  	[sflag:s22] =	ssyncset.done $0x0  }
0x4c: {  	[sflag:s22] =	ssyncadd.s32 $0xFFFFC000  }
0x4d: {  	_ =	sfence.sel $0x180000  }
0x4e: {  	[bflag:$0x0] =	sbarrier.arrive $0xFFFF  }
0x4f: {  	_ =	strace $0x90000056  }
0x50: {  	[bflag:$0x2] =	sbarrier.arrive $0xFFFF  }
0x51: {  	s0 =	rddreg [dreg:$0x3]  }
0x52: {  	s0 =	sadd.s32 @!p0 $0x100000, s0  }
0x53: {  	[sflag:s0] =	ssyncadd.tile.s32 @!p0 $0x1;
	_ =	shalt  }
.Lfunc_end2:
_tile_overlayer_lowered:
.L_overlay_start_2:
0x54: {  	(tag) =	ssettag $0x2  }
0x55: {  	s0 =	rddreg [dreg:$0x0];
	s2 =	stileid.u32  }
0x56: {  	s1 =	rddreg [dreg:$0x1];
	p0 =	sne.s32 s2, $0x0  }
0x57: {  	s3 =	rddreg [dreg:$0x2];
	[bflag:$0x3] =	sbarrier.arrive $0xFFFF;
	s2 =	simm.s32 @!p0 $0x1C03  }
0x58: {  	[timem:s3], [sflag:s2] =	dma.local @!p0 [hbm:s0], s1  }
0x59: {  	s0 =	simm.s32 @!p0 $0x3  }
0x5a: {  	_ =	swait.ge @!p0 [sflag:s0], s1  }
0x5b: {  	s1 =	ssub.s32 @!p0 $0x0, s1;
	[sflag:s0] =	ssyncset.done @!p0 $0x0  }
0x5c: {  	[sflag:s0] =	ssyncadd.s32 @!p0 s1  }
0x5d: {  	[bflag:$0x3] =	sbarrier.arrive $0xFFFF  }
0x5e: {  	_ =	shalt  }

</sc_bundles>
